<compile_context>
chip_gen: v7x
topology: tpu7x:2x2x1
jax: 0.10.2.dev20260603
libtpu: 0.0.44.dev20260713+nightly
codegen_flags: <defaults>
</compile_context>

<pallas_src>
import jax
import jax.numpy as jnp
from jax import lax
from jax.experimental import pallas as pl
from jax.experimental.pallas import tpu as pltpu
from jax.experimental.pallas import tpu_sc as plsc

NC = 2
NS = 16
NW = NC * NS

BATCH = 16384
D = 128
B_PER_W = BATCH // NW
CHUNK = 64
NCHUNK = B_PER_W // CHUNK
GROUPS = CHUNK // 16
NBUF = 4


def _shuf(x, lane, s):
    return x.at[jnp.bitwise_xor(lane, s)].get(mode="promise_in_bounds")


def _sc_body(uidx_hbm, iidx_hbm, u2e_hbm, i2e_hbm, out_hbm,
             uidx_v, iidx_v, u_rows, i_rows, out_v, sem_u, sem_i):
    wid = lax.axis_index("s") * NC + lax.axis_index("c")
    base = wid * B_PER_W

    cu0 = pltpu.async_copy(uidx_hbm.at[wid], uidx_v, sem_u)
    ci0 = pltpu.async_copy(iidx_hbm.at[wid], iidx_v, sem_i)
    cu0.wait()
    ci0.wait()

    lane = lax.iota(jnp.int32, 16)

    def idx_slice(v, c):
        cpr = 128 // CHUNK
        return v.at[c // cpr, pl.ds((c % cpr) * CHUNK, CHUNK)]

    def issue(c, buf):
        pltpu.async_copy(u2e_hbm.at[idx_slice(uidx_v, c)], u_rows.at[buf],
                         sem_u)
        pltpu.async_copy(i2e_hbm.at[idx_slice(iidx_v, c)], i_rows.at[buf],
                         sem_i)

    def drain(buf):
        pltpu.make_async_copy(u2e_hbm.at[idx_slice(uidx_v, 0)],
                              u_rows.at[buf], sem_u).wait()
        pltpu.make_async_copy(i2e_hbm.at[idx_slice(iidx_v, 0)],
                              i_rows.at[buf], sem_i).wait()

    for b in range(NBUF):
        issue(b, b)

    def compute_chunk(c, buf):
        ub = u_rows.at[buf]
        ib = i_rows.at[buf]

        def gbody(g, _):
            def rbody(i, res):
                r = g * 16 + i
                acc = ub[r, pl.ds(0, 16)] * ib[r, pl.ds(0, 16)]
                for j in range(1, D // 16):
                    acc += (ub[r, pl.ds(j * 16, 16)]
                            * ib[r, pl.ds(j * 16, 16)])
                for s in (8, 4, 2, 1):
                    acc = acc + _shuf(acc, lane, s)
                return jnp.where(lane == i, acc, res)

            res = lax.fori_loop(0, 16, rbody, jnp.zeros((16,), jnp.float32))
            out_v[pl.ds(c * CHUNK + g * 16, 16)] = (
                1.0 / (1.0 + jnp.exp(-res)))
            return 0

        lax.fori_loop(0, GROUPS, gbody, 0)

    def kbody(c, _):
        b = c & (NBUF - 1)
        drain(b)
        compute_chunk(c, b)

        @pl.when(c + NBUF < NCHUNK)
        def _issue_next():
            issue(c + NBUF, b)
        return 0

    lax.fori_loop(0, NCHUNK, kbody, 0)

    pltpu.sync_copy(out_v, out_hbm.at[pl.ds(base, B_PER_W)])


@jax.jit
def _run(uidx, iidx, u2e, i2e):
    mesh = plsc.VectorSubcoreMesh(core_axis_name="c", subcore_axis_name="s")
    f = pl.kernel(
        _sc_body,
        mesh=mesh,
        out_type=jax.ShapeDtypeStruct((BATCH,), jnp.float32),
        scratch_types=[
            pltpu.VMEM((B_PER_W // 128, 128), jnp.int32),
            pltpu.VMEM((B_PER_W // 128, 128), jnp.int32),
            pltpu.VMEM((NBUF, CHUNK, D), jnp.float32),
            pltpu.VMEM((NBUF, CHUNK, D), jnp.float32),
            pltpu.VMEM((B_PER_W,), jnp.float32),
            pltpu.SemaphoreType.DMA,
            pltpu.SemaphoreType.DMA,
        ],
    )
    return f(uidx, iidx, u2e, i2e)


def kernel(user_inputs, u_item_inputs, u2e, i2e):
    uidx = user_inputs.reshape(NW, B_PER_W // 128, 128)
    iidx = u_item_inputs.reshape(NW, B_PER_W // 128, 128)
    return _run(uidx, iidx, u2e, i2e)

# --- scband reference (transcript-rebuilt; emitter-appended) ---
"""Pipeline reference for scband-dagr-51384988729344 (READ-ONLY COPY).

The authoritative reference and input builder live on the scoring server;
editing this copy changes nothing except your own understanding.
"""

import jax, jax.numpy as jnp
import numpy as np

NUM_USERS = 100000
NUM_ITEMS = 100000
EMBED_DIM = 128
BATCH = 16384


def setup_inputs(seed: int = 0) -> dict:
    key = jax.random.key(seed)
    k1, k2, k3, k4 = jax.random.split(key, 4)
    user_inputs = jax.random.randint(k1, (BATCH,), 0, NUM_USERS, dtype=jnp.int64 if jax.config.jax_enable_x64 else jnp.int32).astype(jnp.int32)
    u_item_inputs = jax.random.randint(k2, (BATCH,), 0, NUM_ITEMS, dtype=jnp.int64 if jax.config.jax_enable_x64 else jnp.int32).astype(jnp.int32)
    # Learned parameters: enc_u (user encoder embedding table) and env_i (item embedding table),
    # xavier_normal-like init per the torch module's init loop.
    xavier_scale = float(np.sqrt(2.0 / (NUM_USERS + EMBED_DIM)))
    u2e = jax.random.normal(k3, (NUM_USERS, EMBED_DIM), dtype=jnp.float32) * xavier_scale
    i2e = jax.random.normal(k4, (NUM_ITEMS, EMBED_DIM), dtype=jnp.float32) * xavier_scale
    return {"user_inputs": user_inputs, "u_item_inputs": u_item_inputs, "u2e": u2e, "i2e": i2e}


def reference(user_inputs, u_item_inputs, u2e, i2e):
    # forward_user path of DAGR:
    #   item_embeds_full = self.env_i(u_item_inputs)        -> embedding gather
    #   u_embeds_private = self.enc_u(user_inputs)          -> embedding gather
    #   element_embeds = torch.mul(u_embeds, item_embeds)
    #   preds = torch.sigmoid(element_embeds.sum(1))
    item_embeds_full = jnp.take(i2e, u_item_inputs, axis=0)
    u_embeds_full = jnp.take(u2e, user_inputs, axis=0)
    element_embeds = u_embeds_full * item_embeds_full
    preds = jax.nn.sigmoid(jnp.sum(element_embeds, axis=1))
    return preds

if __name__ == "__main__":
    import jax
    _d = setup_inputs()
    print(jax.jit(kernel)(*tuple(_d.values())))

</pallas_src>

<mosaic_0001>
#map = affine_map<(d0, d1) -> (0, 0, 0)>
#map1 = affine_map<(d0, d1) -> (0, 0)>
#map2 = affine_map<(d0, d1) -> (0)>
module attributes {stable_mosaic.version = 14 : i64} {
  func.func @_sc_body(%arg0: i32, %arg1: i32, %arg2: memref<32x4x128xi32, #tpu.memory_space<hbm>>, %arg3: memref<32x4x128xi32, #tpu.memory_space<hbm>>, %arg4: memref<100000x128xf32, #tpu.memory_space<hbm>>, %arg5: memref<100000x128xf32, #tpu.memory_space<hbm>>, %arg6: memref<16384xf32, #tpu.memory_space<hbm>>, %arg7: memref<4x128xi32, #tpu.memory_space<vmem>>, %arg8: memref<4x128xi32, #tpu.memory_space<vmem>>, %arg9: memref<4x64x128xf32, #tpu.memory_space<vmem>>, %arg10: memref<4x64x128xf32, #tpu.memory_space<vmem>>, %arg11: memref<512xf32, #tpu.memory_space<vmem>>, %arg12: memref<!tpu.dma_semaphore, #tpu.memory_space<semaphore_mem>>, %arg13: memref<!tpu.dma_semaphore, #tpu.memory_space<semaphore_mem>>) attributes {dimension_semantics = [#tpu.dimension_semantics<core_parallel>, #tpu.dimension_semantics<subcore_parallel>], iteration_bounds = array<i64: 2, 16>, scalar_prefetch = 0 : i64, scratch_operands = 7 : i64, tpu.core_type = #tpu.core_type<sc_vector_subcore>, window_params = [{transform_indices = #map}, {transform_indices = #map}, {transform_indices = #map1}, {transform_indices = #map1}, {transform_indices = #map2}]} {
    %mul3A = arith.constant 2 : i32
    %mul3A_0 = arith.muli %arg1, %mul3A : i32
    %add3A = arith.addi %mul3A_0, %arg0 : i32
    %mul3A_1 = arith.constant 512 : i32
    %mul3A_2 = arith.muli %add3A, %mul3A_1 : i32
    %dma_start3A = arith.constant 0 : i32
    %dma_start3A_3 = arith.constant 0 : i32
    %dma_start3A_4 = tpu.memref_slice %arg2[%add3A, %dma_start3A, %dma_start3A_3] : memref<32x4x128xi32, #tpu.memory_space<hbm>> -> memref<1x4x128xi32, #tpu.memory_space<hbm>>
    %dma_start3A_5 = tpu.memref_squeeze %dma_start3A_4 : memref<1x4x128xi32, #tpu.memory_space<hbm>> -> memref<4x128xi32, #tpu.memory_space<hbm>>
    %dma_start3A_6 = arith.constant 0 : i32
    %dma_start3A_7 = arith.constant 0 : i32
    %dma_start3A_8 = tpu.memref_slice %arg2[%add3A, %dma_start3A_6, %dma_start3A_7] : memref<32x4x128xi32, #tpu.memory_space<hbm>> -> memref<1x4x128xi32, #tpu.memory_space<hbm>>
    %dma_start3A_9 = tpu.memref_squeeze %dma_start3A_8 : memref<1x4x128xi32, #tpu.memory_space<hbm>> -> memref<4x128xi32, #tpu.memory_space<hbm>>
    tpu.enqueue_dma source(%dma_start3A_9 : memref<4x128xi32, #tpu.memory_space<hbm>>) target(%arg7 : memref<4x128xi32, #tpu.memory_space<vmem>>) target_semaphore(%arg12 : memref<!tpu.dma_semaphore, #tpu.memory_space<semaphore_mem>>)
    %dma_start3A_10 = arith.constant 0 : i32
    %dma_start3A_11 = arith.constant 0 : i32
    %dma_start3A_12 = tpu.memref_slice %arg3[%add3A, %dma_start3A_10, %dma_start3A_11] : memref<32x4x128xi32, #tpu.memory_space<hbm>> -> memref<1x4x128xi32, #tpu.memory_space<hbm>>
    %dma_start3A_13 = tpu.memref_squeeze %dma_start3A_12 : memref<1x4x128xi32, #tpu.memory_space<hbm>> -> memref<4x128xi32, #tpu.memory_space<hbm>>
    %dma_start3A_14 = arith.constant 0 : i32
    %dma_start3A_15 = arith.constant 0 : i32
    %dma_start3A_16 = tpu.memref_slice %arg3[%add3A, %dma_start3A_14, %dma_start3A_15] : memref<32x4x128xi32, #tpu.memory_space<hbm>> -> memref<1x4x128xi32, #tpu.memory_space<hbm>>
    %dma_start3A_17 = tpu.memref_squeeze %dma_start3A_16 : memref<1x4x128xi32, #tpu.memory_space<hbm>> -> memref<4x128xi32, #tpu.memory_space<hbm>>
    tpu.enqueue_dma source(%dma_start3A_17 : memref<4x128xi32, #tpu.memory_space<hbm>>) target(%arg8 : memref<4x128xi32, #tpu.memory_space<vmem>>) target_semaphore(%arg13 : memref<!tpu.dma_semaphore, #tpu.memory_space<semaphore_mem>>)
    %dma_wait3A = arith.constant 0 : i32
    %dma_wait3A_18 = arith.constant 0 : i32
    %dma_wait3A_19 = tpu.memref_slice %arg2[%add3A, %dma_wait3A, %dma_wait3A_18] : memref<32x4x128xi32, #tpu.memory_space<hbm>> -> memref<1x4x128xi32, #tpu.memory_space<hbm>>
    %dma_wait3A_20 = tpu.memref_squeeze %dma_wait3A_19 : memref<1x4x128xi32, #tpu.memory_space<hbm>> -> memref<4x128xi32, #tpu.memory_space<hbm>>
    %dma_wait3A_21 = arith.constant 0 : i32
    %dma_wait3A_22 = arith.constant 0 : i32
    %dma_wait3A_23 = tpu.memref_slice %arg2[%add3A, %dma_wait3A_21, %dma_wait3A_22] : memref<32x4x128xi32, #tpu.memory_space<hbm>> -> memref<1x4x128xi32, #tpu.memory_space<hbm>>
    %dma_wait3A_24 = tpu.memref_squeeze %dma_wait3A_23 : memref<1x4x128xi32, #tpu.memory_space<hbm>> -> memref<4x128xi32, #tpu.memory_space<hbm>>
    tpu.wait_dma2 semaphore(%arg12 : memref<!tpu.dma_semaphore, #tpu.memory_space<semaphore_mem>>) src(%dma_wait3A_24 : memref<4x128xi32, #tpu.memory_space<hbm>>) dst(%arg7 : memref<4x128xi32, #tpu.memory_space<vmem>>)
    %dma_wait3A_25 = arith.constant 0 : i32
    %dma_wait3A_26 = arith.constant 0 : i32
    %dma_wait3A_27 = tpu.memref_slice %arg3[%add3A, %dma_wait3A_25, %dma_wait3A_26] : memref<32x4x128xi32, #tpu.memory_space<hbm>> -> memref<1x4x128xi32, #tpu.memory_space<hbm>>
    %dma_wait3A_28 = tpu.memref_squeeze %dma_wait3A_27 : memref<1x4x128xi32, #tpu.memory_space<hbm>> -> memref<4x128xi32, #tpu.memory_space<hbm>>
    %dma_wait3A_29 = arith.constant 0 : i32
    %dma_wait3A_30 = arith.constant 0 : i32
    %dma_wait3A_31 = tpu.memref_slice %arg3[%add3A, %dma_wait3A_29, %dma_wait3A_30] : memref<32x4x128xi32, #tpu.memory_space<hbm>> -> memref<1x4x128xi32, #tpu.memory_space<hbm>>
    %dma_wait3A_32 = tpu.memref_squeeze %dma_wait3A_31 : memref<1x4x128xi32, #tpu.memory_space<hbm>> -> memref<4x128xi32, #tpu.memory_space<hbm>>
    tpu.wait_dma2 semaphore(%arg13 : memref<!tpu.dma_semaphore, #tpu.memory_space<semaphore_mem>>) src(%dma_wait3A_32 : memref<4x128xi32, #tpu.memory_space<hbm>>) dst(%arg8 : memref<4x128xi32, #tpu.memory_space<vmem>>)
    %iota3A = tpu.iota {dimensions = array<i32: 0>} : vector<16xi32>
    %dma_start3A_33 = arith.constant 0 : i32
    %dma_start3A_34 = arith.constant 0 : i32
    %dma_start3A_35 = arith.constant 0 : i32
    %dma_start3A_36 = arith.constant 0 : i32
    %dma_start3A_37 = tpu.memref_slice %arg9[%dma_start3A_34, %dma_start3A_35, %dma_start3A_36] : memref<4x64x128xf32, #tpu.memory_space<vmem>> -> memref<1x64x128xf32, #tpu.memory_space<vmem>>
    %dma_start3A_38 = tpu.memref_squeeze %dma_start3A_37 : memref<1x64x128xf32, #tpu.memory_space<vmem>> -> memref<64x128xf32, #tpu.memory_space<vmem>>
    %dma_start3A_39 = arith.constant 0 : i32
    %dma_start3A_40 = tpu.memref_slice %arg7[%dma_start3A_33, %dma_start3A_39] : memref<4x128xi32, #tpu.memory_space<vmem>> -> memref<1x64xi32, #tpu.memory_space<vmem>>
    %dma_start3A_41 = tpu.memref_squeeze %dma_start3A_40 : memref<1x64xi32, #tpu.memory_space<vmem>> -> memref<64xi32, #tpu.memory_space<vmem>>
    %dma_start3A_42 = arith.constant 0 : i32
    %dma_start3A_43 = arith.constant 0 : i32
    %dma_start3A_44 = tpu.memref_slice %arg4[%dma_start3A_42, %dma_start3A_43] : memref<100000x128xf32, #tpu.memory_space<hbm>> -> memref<100000x128xf32, #tpu.memory_space<hbm>>
    tpu.enqueue_indirect_dma source(%dma_start3A_44 : memref<100000x128xf32, #tpu.memory_space<hbm>>) target(%dma_start3A_38 : memref<64x128xf32, #tpu.memory_space<vmem>>) offsets(%dma_start3A_41 : memref<64xi32, #tpu.memory_space<vmem>>) semaphore(%arg12 : memref<!tpu.dma_semaphore, #tpu.memory_space<semaphore_mem>>)
    %dma_start3A_45 = arith.constant 0 : i32
    %dma_start3A_46 = arith.constant 0 : i32
    %dma_start3A_47 = arith.constant 0 : i32
    %dma_start3A_48 = arith.constant 0 : i32
    %dma_start3A_49 = tpu.memref_slice %arg10[%dma_start3A_46, %dma_start3A_47, %dma_start3A_48] : memref<4x64x128xf32, #tpu.memory_space<vmem>> -> memref<1x64x128xf32, #tpu.memory_space<vmem>>
    %dma_start3A_50 = tpu.memref_squeeze %dma_start3A_49 : memref<1x64x128xf32, #tpu.memory_space<vmem>> -> memref<64x128xf32, #tpu.memory_space<vmem>>
    %dma_start3A_51 = arith.constant 0 : i32
    %dma_start3A_52 = tpu.memref_slice %arg8[%dma_start3A_45, %dma_start3A_51] : memref<4x128xi32, #tpu.memory_space<vmem>> -> memref<1x64xi32, #tpu.memory_space<vmem>>
    %dma_start3A_53 = tpu.memref_squeeze %dma_start3A_52 : memref<1x64xi32, #tpu.memory_space<vmem>> -> memref<64xi32, #tpu.memory_space<vmem>>
    %dma_start3A_54 = arith.constant 0 : i32
    %dma_start3A_55 = arith.constant 0 : i32
    %dma_start3A_56 = tpu.memref_slice %arg5[%dma_start3A_54, %dma_start3A_55] : memref<100000x128xf32, #tpu.memory_space<hbm>> -> memref<100000x128xf32, #tpu.memory_space<hbm>>
    tpu.enqueue_indirect_dma source(%dma_start3A_56 : memref<100000x128xf32, #tpu.memory_space<hbm>>) target(%dma_start3A_50 : memref<64x128xf32, #tpu.memory_space<vmem>>) offsets(%dma_start3A_53 : memref<64xi32, #tpu.memory_space<vmem>>) semaphore(%arg13 : memref<!tpu.dma_semaphore, #tpu.memory_space<semaphore_mem>>)
    %dma_start3A_57 = arith.constant 0 : i32
    %dma_start3A_58 = arith.constant 1 : i32
    %dma_start3A_59 = arith.constant 0 : i32
    %dma_start3A_60 = arith.constant 0 : i32
    %dma_start3A_61 = tpu.memref_slice %arg9[%dma_start3A_58, %dma_start3A_59, %dma_start3A_60] : memref<4x64x128xf32, #tpu.memory_space<vmem>> -> memref<1x64x128xf32, #tpu.memory_space<vmem>>
    %dma_start3A_62 = tpu.memref_squeeze %dma_start3A_61 : memref<1x64x128xf32, #tpu.memory_space<vmem>> -> memref<64x128xf32, #tpu.memory_space<vmem>>
    %dma_start3A_63 = arith.constant 64 : i32
    %dma_start3A_64 = tpu.memref_slice %arg7[%dma_start3A_57, %dma_start3A_63] : memref<4x128xi32, #tpu.memory_space<vmem>> -> memref<1x64xi32, #tpu.memory_space<vmem>>
    %dma_start3A_65 = tpu.memref_squeeze %dma_start3A_64 : memref<1x64xi32, #tpu.memory_space<vmem>> -> memref<64xi32, #tpu.memory_space<vmem>>
    %dma_start3A_66 = arith.constant 0 : i32
    %dma_start3A_67 = arith.constant 0 : i32
    %dma_start3A_68 = tpu.memref_slice %arg4[%dma_start3A_66, %dma_start3A_67] : memref<100000x128xf32, #tpu.memory_space<hbm>> -> memref<100000x128xf32, #tpu.memory_space<hbm>>
    tpu.enqueue_indirect_dma source(%dma_start3A_68 : memref<100000x128xf32, #tpu.memory_space<hbm>>) target(%dma_start3A_62 : memref<64x128xf32, #tpu.memory_space<vmem>>) offsets(%dma_start3A_65 : memref<64xi32, #tpu.memory_space<vmem>>) semaphore(%arg12 : memref<!tpu.dma_semaphore, #tpu.memory_space<semaphore_mem>>)
    %dma_start3A_69 = arith.constant 0 : i32
    %dma_start3A_70 = arith.constant 1 : i32
    %dma_start3A_71 = arith.constant 0 : i32
    %dma_start3A_72 = arith.constant 0 : i32
    %dma_start3A_73 = tpu.memref_slice %arg10[%dma_start3A_70, %dma_start3A_71, %dma_start3A_72] : memref<4x64x128xf32, #tpu.memory_space<vmem>> -> memref<1x64x128xf32, #tpu.memory_space<vmem>>
    %dma_start3A_74 = tpu.memref_squeeze %dma_start3A_73 : memref<1x64x128xf32, #tpu.memory_space<vmem>> -> memref<64x128xf32, #tpu.memory_space<vmem>>
    %dma_start3A_75 = arith.constant 64 : i32
    %dma_start3A_76 = tpu.memref_slice %arg8[%dma_start3A_69, %dma_start3A_75] : memref<4x128xi32, #tpu.memory_space<vmem>> -> memref<1x64xi32, #tpu.memory_space<vmem>>
    %dma_start3A_77 = tpu.memref_squeeze %dma_start3A_76 : memref<1x64xi32, #tpu.memory_space<vmem>> -> memref<64xi32, #tpu.memory_space<vmem>>
    %dma_start3A_78 = arith.constant 0 : i32
    %dma_start3A_79 = arith.constant 0 : i32
    %dma_start3A_80 = tpu.memref_slice %arg5[%dma_start3A_78, %dma_start3A_79] : memref<100000x128xf32, #tpu.memory_space<hbm>> -> memref<100000x128xf32, #tpu.memory_space<hbm>>
    tpu.enqueue_indirect_dma source(%dma_start3A_80 : memref<100000x128xf32, #tpu.memory_space<hbm>>) target(%dma_start3A_74 : memref<64x128xf32, #tpu.memory_space<vmem>>) offsets(%dma_start3A_77 : memref<64xi32, #tpu.memory_space<vmem>>) semaphore(%arg13 : memref<!tpu.dma_semaphore, #tpu.memory_space<semaphore_mem>>)
    %dma_start3A_81 = arith.constant 1 : i32
    %dma_start3A_82 = arith.constant 2 : i32
    %dma_start3A_83 = arith.constant 0 : i32
    %dma_start3A_84 = arith.constant 0 : i32
    %dma_start3A_85 = tpu.memref_slice %arg9[%dma_start3A_82, %dma_start3A_83, %dma_start3A_84] : memref<4x64x128xf32, #tpu.memory_space<vmem>> -> memref<1x64x128xf32, #tpu.memory_space<vmem>>
    %dma_start3A_86 = tpu.memref_squeeze %dma_start3A_85 : memref<1x64x128xf32, #tpu.memory_space<vmem>> -> memref<64x128xf32, #tpu.memory_space<vmem>>
    %dma_start3A_87 = arith.constant 0 : i32
    %dma_start3A_88 = tpu.memref_slice %arg7[%dma_start3A_81, %dma_start3A_87] : memref<4x128xi32, #tpu.memory_space<vmem>> -> memref<1x64xi32, #tpu.memory_space<vmem>>
    %dma_start3A_89 = tpu.memref_squeeze %dma_start3A_88 : memref<1x64xi32, #tpu.memory_space<vmem>> -> memref<64xi32, #tpu.memory_space<vmem>>
    %dma_start3A_90 = arith.constant 0 : i32
    %dma_start3A_91 = arith.constant 0 : i32
    %dma_start3A_92 = tpu.memref_slice %arg4[%dma_start3A_90, %dma_start3A_91] : memref<100000x128xf32, #tpu.memory_space<hbm>> -> memref<100000x128xf32, #tpu.memory_space<hbm>>
    tpu.enqueue_indirect_dma source(%dma_start3A_92 : memref<100000x128xf32, #tpu.memory_space<hbm>>) target(%dma_start3A_86 : memref<64x128xf32, #tpu.memory_space<vmem>>) offsets(%dma_start3A_89 : memref<64xi32, #tpu.memory_space<vmem>>) semaphore(%arg12 : memref<!tpu.dma_semaphore, #tpu.memory_space<semaphore_mem>>)
    %dma_start3A_93 = arith.constant 1 : i32
    %dma_start3A_94 = arith.constant 2 : i32
    %dma_start3A_95 = arith.constant 0 : i32
    %dma_start3A_96 = arith.constant 0 : i32
    %dma_start3A_97 = tpu.memref_slice %arg10[%dma_start3A_94, %dma_start3A_95, %dma_start3A_96] : memref<4x64x128xf32, #tpu.memory_space<vmem>> -> memref<1x64x128xf32, #tpu.memory_space<vmem>>
    %dma_start3A_98 = tpu.memref_squeeze %dma_start3A_97 : memref<1x64x128xf32, #tpu.memory_space<vmem>> -> memref<64x128xf32, #tpu.memory_space<vmem>>
    %dma_start3A_99 = arith.constant 0 : i32
    %dma_start3A_100 = tpu.memref_slice %arg8[%dma_start3A_93, %dma_start3A_99] : memref<4x128xi32, #tpu.memory_space<vmem>> -> memref<1x64xi32, #tpu.memory_space<vmem>>
    %dma_start3A_101 = tpu.memref_squeeze %dma_start3A_100 : memref<1x64xi32, #tpu.memory_space<vmem>> -> memref<64xi32, #tpu.memory_space<vmem>>
    %dma_start3A_102 = arith.constant 0 : i32
    %dma_start3A_103 = arith.constant 0 : i32
    %dma_start3A_104 = tpu.memref_slice %arg5[%dma_start3A_102, %dma_start3A_103] : memref<100000x128xf32, #tpu.memory_space<hbm>> -> memref<100000x128xf32, #tpu.memory_space<hbm>>
    tpu.enqueue_indirect_dma source(%dma_start3A_104 : memref<100000x128xf32, #tpu.memory_space<hbm>>) target(%dma_start3A_98 : memref<64x128xf32, #tpu.memory_space<vmem>>) offsets(%dma_start3A_101 : memref<64xi32, #tpu.memory_space<vmem>>) semaphore(%arg13 : memref<!tpu.dma_semaphore, #tpu.memory_space<semaphore_mem>>)
    %dma_start3A_105 = arith.constant 1 : i32
    %dma_start3A_106 = arith.constant 3 : i32
    %dma_start3A_107 = arith.constant 0 : i32
    %dma_start3A_108 = arith.constant 0 : i32
    %dma_start3A_109 = tpu.memref_slice %arg9[%dma_start3A_106, %dma_start3A_107, %dma_start3A_108] : memref<4x64x128xf32, #tpu.memory_space<vmem>> -> memref<1x64x128xf32, #tpu.memory_space<vmem>>
    %dma_start3A_110 = tpu.memref_squeeze %dma_start3A_109 : memref<1x64x128xf32, #tpu.memory_space<vmem>> -> memref<64x128xf32, #tpu.memory_space<vmem>>
    %dma_start3A_111 = arith.constant 64 : i32
    %dma_start3A_112 = tpu.memref_slice %arg7[%dma_start3A_105, %dma_start3A_111] : memref<4x128xi32, #tpu.memory_space<vmem>> -> memref<1x64xi32, #tpu.memory_space<vmem>>
    %dma_start3A_113 = tpu.memref_squeeze %dma_start3A_112 : memref<1x64xi32, #tpu.memory_space<vmem>> -> memref<64xi32, #tpu.memory_space<vmem>>
    %dma_start3A_114 = arith.constant 0 : i32
    %dma_start3A_115 = arith.constant 0 : i32
    %dma_start3A_116 = tpu.memref_slice %arg4[%dma_start3A_114, %dma_start3A_115] : memref<100000x128xf32, #tpu.memory_space<hbm>> -> memref<100000x128xf32, #tpu.memory_space<hbm>>
    tpu.enqueue_indirect_dma source(%dma_start3A_116 : memref<100000x128xf32, #tpu.memory_space<hbm>>) target(%dma_start3A_110 : memref<64x128xf32, #tpu.memory_space<vmem>>) offsets(%dma_start3A_113 : memref<64xi32, #tpu.memory_space<vmem>>) semaphore(%arg12 : memref<!tpu.dma_semaphore, #tpu.memory_space<semaphore_mem>>)
    %dma_start3A_117 = arith.constant 1 : i32
    %dma_start3A_118 = arith.constant 3 : i32
    %dma_start3A_119 = arith.constant 0 : i32
    %dma_start3A_120 = arith.constant 0 : i32
    %dma_start3A_121 = tpu.memref_slice %arg10[%dma_start3A_118, %dma_start3A_119, %dma_start3A_120] : memref<4x64x128xf32, #tpu.memory_space<vmem>> -> memref<1x64x128xf32, #tpu.memory_space<vmem>>
    %dma_start3A_122 = tpu.memref_squeeze %dma_start3A_121 : memref<1x64x128xf32, #tpu.memory_space<vmem>> -> memref<64x128xf32, #tpu.memory_space<vmem>>
    %dma_start3A_123 = arith.constant 64 : i32
    %dma_start3A_124 = tpu.memref_slice %arg8[%dma_start3A_117, %dma_start3A_123] : memref<4x128xi32, #tpu.memory_space<vmem>> -> memref<1x64xi32, #tpu.memory_space<vmem>>
    %dma_start3A_125 = tpu.memref_squeeze %dma_start3A_124 : memref<1x64xi32, #tpu.memory_space<vmem>> -> memref<64xi32, #tpu.memory_space<vmem>>
    %dma_start3A_126 = arith.constant 0 : i32
    %dma_start3A_127 = arith.constant 0 : i32
    %dma_start3A_128 = tpu.memref_slice %arg5[%dma_start3A_126, %dma_start3A_127] : memref<100000x128xf32, #tpu.memory_space<hbm>> -> memref<100000x128xf32, #tpu.memory_space<hbm>>
    tpu.enqueue_indirect_dma source(%dma_start3A_128 : memref<100000x128xf32, #tpu.memory_space<hbm>>) target(%dma_start3A_122 : memref<64x128xf32, #tpu.memory_space<vmem>>) offsets(%dma_start3A_125 : memref<64xi32, #tpu.memory_space<vmem>>) semaphore(%arg13 : memref<!tpu.dma_semaphore, #tpu.memory_space<semaphore_mem>>)
    %scan3A = arith.constant 0 : i32
    %scan3A_129 = arith.constant 0 : i32
    %scan3A_130 = arith.constant 8 : i32
    %scan3A_131 = arith.addi %scan3A_129, %scan3A_130 : i32
    %scan3A_132 = arith.constant 1 : i32
    %scan3A_133 = scf.for %scan3A_135 = %scan3A_129 to %scan3A_131 step %scan3A_132 iter_args(%scan3A_136 = %scan3A) -> (i32)  : i32 {
      %and3A = arith.constant 3 : i32
      %and3A_137 = arith.andi %scan3A_135, %and3A : i32
      %dma_wait3A_138 = arith.constant 0 : i32
      %dma_wait3A_139 = arith.constant 0 : i32
      %dma_wait3A_140 = arith.constant 0 : i32
      %dma_wait3A_141 = tpu.memref_slice %arg9[%and3A_137, %dma_wait3A_139, %dma_wait3A_140] : memref<4x64x128xf32, #tpu.memory_space<vmem>> -> memref<1x64x128xf32, #tpu.memory_space<vmem>>
      %dma_wait3A_142 = tpu.memref_squeeze %dma_wait3A_141 : memref<1x64x128xf32, #tpu.memory_space<vmem>> -> memref<64x128xf32, #tpu.memory_space<vmem>>
      %dma_wait3A_143 = arith.constant 0 : i32
      %dma_wait3A_144 = tpu.memref_slice %arg7[%dma_wait3A_138, %dma_wait3A_143] : memref<4x128xi32, #tpu.memory_space<vmem>> -> memref<1x64xi32, #tpu.memory_space<vmem>>
      %dma_wait3A_145 = tpu.memref_squeeze %dma_wait3A_144 : memref<1x64xi32, #tpu.memory_space<vmem>> -> memref<64xi32, #tpu.memory_space<vmem>>
      %dma_wait3A_146 = arith.constant 0 : i32
      %dma_wait3A_147 = arith.constant 0 : i32
      %dma_wait3A_148 = tpu.memref_slice %arg4[%dma_wait3A_146, %dma_wait3A_147] : memref<100000x128xf32, #tpu.memory_space<hbm>> -> memref<100000x128xf32, #tpu.memory_space<hbm>>
      tpu.wait_indirect_dma semaphore(%arg12 : memref<!tpu.dma_semaphore, #tpu.memory_space<semaphore_mem>>) src(%dma_wait3A_148 : memref<100000x128xf32, #tpu.memory_space<hbm>>) dst(%dma_wait3A_142 : memref<64x128xf32, #tpu.memory_space<vmem>>)
      %dma_wait3A_149 = arith.constant 0 : i32
      %dma_wait3A_150 = arith.constant 0 : i32
      %dma_wait3A_151 = arith.constant 0 : i32
      %dma_wait3A_152 = tpu.memref_slice %arg10[%and3A_137, %dma_wait3A_150, %dma_wait3A_151] : memref<4x64x128xf32, #tpu.memory_space<vmem>> -> memref<1x64x128xf32, #tpu.memory_space<vmem>>
      %dma_wait3A_153 = tpu.memref_squeeze %dma_wait3A_152 : memref<1x64x128xf32, #tpu.memory_space<vmem>> -> memref<64x128xf32, #tpu.memory_space<vmem>>
      %dma_wait3A_154 = arith.constant 0 : i32
      %dma_wait3A_155 = tpu.memref_slice %arg8[%dma_wait3A_149, %dma_wait3A_154] : memref<4x128xi32, #tpu.memory_space<vmem>> -> memref<1x64xi32, #tpu.memory_space<vmem>>
      %dma_wait3A_156 = tpu.memref_squeeze %dma_wait3A_155 : memref<1x64xi32, #tpu.memory_space<vmem>> -> memref<64xi32, #tpu.memory_space<vmem>>
      %dma_wait3A_157 = arith.constant 0 : i32
      %dma_wait3A_158 = arith.constant 0 : i32
      %dma_wait3A_159 = tpu.memref_slice %arg5[%dma_wait3A_157, %dma_wait3A_158] : memref<100000x128xf32, #tpu.memory_space<hbm>> -> memref<100000x128xf32, #tpu.memory_space<hbm>>
      tpu.wait_indirect_dma semaphore(%arg13 : memref<!tpu.dma_semaphore, #tpu.memory_space<semaphore_mem>>) src(%dma_wait3A_159 : memref<100000x128xf32, #tpu.memory_space<hbm>>) dst(%dma_wait3A_153 : memref<64x128xf32, #tpu.memory_space<vmem>>)
      %scan3A_160 = arith.constant 0 : i32
      %scan3A_161 = arith.constant 0 : i32
      %scan3A_162 = arith.constant 4 : i32
      %scan3A_163 = arith.addi %scan3A_161, %scan3A_162 : i32
      %scan3A_164 = arith.constant 1 : i32
      %scan3A_165 = scf.for %scan3A_172 = %scan3A_161 to %scan3A_163 step %scan3A_164 iter_args(%scan3A_173 = %scan3A_160) -> (i32)  : i32 {
        %broadcast_in_dim3A = arith.constant 0.000000e+00 : f32
        %broadcast_in_dim3A_174 = vector.broadcast %broadcast_in_dim3A : f32 to vector<16xf32>
        %scan3A_175 = arith.constant 0 : i32
        %scan3A_176 = arith.constant 16 : i32
        %scan3A_177 = arith.addi %scan3A_175, %scan3A_176 : i32
        %scan3A_178 = arith.constant 1 : i32
        %scan3A_179 = scf.for %scan3A_197 = %scan3A_175 to %scan3A_177 step %scan3A_178 iter_args(%scan3A_198 = %broadcast_in_dim3A_174) -> (vector<16xf32>)  : i32 {
          %mul3A_199 = arith.constant 16 : i32
          %mul3A_200 = arith.muli %scan3A_172, %mul3A_199 : i32
          %add3A_201 = arith.addi %mul3A_200, %scan3A_197 : i32
          %get3A = arith.constant 0 : i32
          %get3A_202 = arith.constant 0 : i32
          %get3A_203 = tpu.memref_slice %arg9[%and3A_137, %get3A, %get3A_202] : memref<4x64x128xf32, #tpu.memory_space<vmem>> -> memref<1x64x128xf32, #tpu.memory_space<vmem>>
          %get3A_204 = tpu.memref_squeeze %get3A_203 : memref<1x64x128xf32, #tpu.memory_space<vmem>> -> memref<64x128xf32, #tpu.memory_space<vmem>>
          %get3A_205 = arith.index_cast %add3A_201 : i32 to index
          %get3A_206 = arith.constant 0 : index
          %get3A_207 = tpu.vector_load %get3A_204[%get3A_205, %get3A_206] {strides = array<i32>} : memref<64x128xf32, #tpu.memory_space<vmem>>, vector<1x16xf32>,
          %get3A_208 = vector.shape_cast %get3A_207 : vector<1x16xf32> to vector<16xf32>
          %get3A_209 = arith.constant 0 : i32
          %get3A_210 = arith.constant 0 : i32
          %get3A_211 = tpu.memref_slice %arg10[%and3A_137, %get3A_209, %get3A_210] : memref<4x64x128xf32, #tpu.memory_space<vmem>> -> memref<1x64x128xf32, #tpu.memory_space<vmem>>
          %get3A_212 = tpu.memref_squeeze %get3A_211 : memref<1x64x128xf32, #tpu.memory_space<vmem>> -> memref<64x128xf32, #tpu.memory_space<vmem>>
          %get3A_213 = arith.index_cast %add3A_201 : i32 to index
          %get3A_214 = arith.constant 0 : index
          %get3A_215 = tpu.vector_load %get3A_212[%get3A_213, %get3A_214] {strides = array<i32>} : memref<64x128xf32, #tpu.memory_space<vmem>>, vector<1x16xf32>,
          %get3A_216 = vector.shape_cast %get3A_215 : vector<1x16xf32> to vector<16xf32>
          %mul3A_217 = arith.mulf %get3A_208, %get3A_216 : vector<16xf32>
          %get3A_218 = arith.constant 0 : i32
          %get3A_219 = arith.constant 0 : i32
          %get3A_220 = tpu.memref_slice %arg9[%and3A_137, %get3A_218, %get3A_219] : memref<4x64x128xf32, #tpu.memory_space<vmem>> -> memref<1x64x128xf32, #tpu.memory_space<vmem>>
          %get3A_221 = tpu.memref_squeeze %get3A_220 : memref<1x64x128xf32, #tpu.memory_space<vmem>> -> memref<64x128xf32, #tpu.memory_space<vmem>>
          %get3A_222 = arith.index_cast %add3A_201 : i32 to index
          %get3A_223 = arith.constant 16 : index
          %get3A_224 = tpu.vector_load %get3A_221[%get3A_222, %get3A_223] {strides = array<i32>} : memref<64x128xf32, #tpu.memory_space<vmem>>, vector<1x16xf32>,
          %get3A_225 = vector.shape_cast %get3A_224 : vector<1x16xf32> to vector<16xf32>
          %get3A_226 = arith.constant 0 : i32
          %get3A_227 = arith.constant 0 : i32
          %get3A_228 = tpu.memref_slice %arg10[%and3A_137, %get3A_226, %get3A_227] : memref<4x64x128xf32, #tpu.memory_space<vmem>> -> memref<1x64x128xf32, #tpu.memory_space<vmem>>
          %get3A_229 = tpu.memref_squeeze %get3A_228 : memref<1x64x128xf32, #tpu.memory_space<vmem>> -> memref<64x128xf32, #tpu.memory_space<vmem>>
          %get3A_230 = arith.index_cast %add3A_201 : i32 to index
          %get3A_231 = arith.constant 16 : index
          %get3A_232 = tpu.vector_load %get3A_229[%get3A_230, %get3A_231] {strides = array<i32>} : memref<64x128xf32, #tpu.memory_space<vmem>>, vector<1x16xf32>,
          %get3A_233 = vector.shape_cast %get3A_232 : vector<1x16xf32> to vector<16xf32>
          %mul3A_234 = arith.mulf %get3A_225, %get3A_233 : vector<16xf32>
          %add3A_235 = arith.addf %mul3A_217, %mul3A_234 : vector<16xf32>
          %get3A_236 = arith.constant 0 : i32
          %get3A_237 = arith.constant 0 : i32
          %get3A_238 = tpu.memref_slice %arg9[%and3A_137, %get3A_236, %get3A_237] : memref<4x64x128xf32, #tpu.memory_space<vmem>> -> memref<1x64x128xf32, #tpu.memory_space<vmem>>
          %get3A_239 = tpu.memref_squeeze %get3A_238 : memref<1x64x128xf32, #tpu.memory_space<vmem>> -> memref<64x128xf32, #tpu.memory_space<vmem>>
          %get3A_240 = arith.index_cast %add3A_201 : i32 to index
          %get3A_241 = arith.constant 32 : index
          %get3A_242 = tpu.vector_load %get3A_239[%get3A_240, %get3A_241] {strides = array<i32>} : memref<64x128xf32, #tpu.memory_space<vmem>>, vector<1x16xf32>,
          %get3A_243 = vector.shape_cast %get3A_242 : vector<1x16xf32> to vector<16xf32>
          %get3A_244 = arith.constant 0 : i32
          %get3A_245 = arith.constant 0 : i32
          %get3A_246 = tpu.memref_slice %arg10[%and3A_137, %get3A_244, %get3A_245] : memref<4x64x128xf32, #tpu.memory_space<vmem>> -> memref<1x64x128xf32, #tpu.memory_space<vmem>>
          %get3A_247 = tpu.memref_squeeze %get3A_246 : memref<1x64x128xf32, #tpu.memory_space<vmem>> -> memref<64x128xf32, #tpu.memory_space<vmem>>
          %get3A_248 = arith.index_cast %add3A_201 : i32 to index
          %get3A_249 = arith.constant 32 : index
          %get3A_250 = tpu.vector_load %get3A_247[%get3A_248, %get3A_249] {strides = array<i32>} : memref<64x128xf32, #tpu.memory_space<vmem>>, vector<1x16xf32>,
          %get3A_251 = vector.shape_cast %get3A_250 : vector<1x16xf32> to vector<16xf32>
          %mul3A_252 = arith.mulf %get3A_243, %get3A_251 : vector<16xf32>
          %add3A_253 = arith.addf %add3A_235, %mul3A_252 : vector<16xf32>
          %get3A_254 = arith.constant 0 : i32
          %get3A_255 = arith.constant 0 : i32
          %get3A_256 = tpu.memref_slice %arg9[%and3A_137, %get3A_254, %get3A_255] : memref<4x64x128xf32, #tpu.memory_space<vmem>> -> memref<1x64x128xf32, #tpu.memory_space<vmem>>
          %get3A_257 = tpu.memref_squeeze %get3A_256 : memref<1x64x128xf32, #tpu.memory_space<vmem>> -> memref<64x128xf32, #tpu.memory_space<vmem>>
          %get3A_258 = arith.index_cast %add3A_201 : i32 to index
          %get3A_259 = arith.constant 48 : index
          %get3A_260 = tpu.vector_load %get3A_257[%get3A_258, %get3A_259] {strides = array<i32>} : memref<64x128xf32, #tpu.memory_space<vmem>>, vector<1x16xf32>,
          %get3A_261 = vector.shape_cast %get3A_260 : vector<1x16xf32> to vector<16xf32>
          %get3A_262 = arith.constant 0 : i32
          %get3A_263 = arith.constant 0 : i32
          %get3A_264 = tpu.memref_slice %arg10[%and3A_137, %get3A_262, %get3A_263] : memref<4x64x128xf32, #tpu.memory_space<vmem>> -> memref<1x64x128xf32, #tpu.memory_space<vmem>>
          %get3A_265 = tpu.memref_squeeze %get3A_264 : memref<1x64x128xf32, #tpu.memory_space<vmem>> -> memref<64x128xf32, #tpu.memory_space<vmem>>
          %get3A_266 = arith.index_cast %add3A_201 : i32 to index
          %get3A_267 = arith.constant 48 : index
          %get3A_268 = tpu.vector_load %get3A_265[%get3A_266, %get3A_267] {strides = array<i32>} : memref<64x128xf32, #tpu.memory_space<vmem>>, vector<1x16xf32>,
          %get3A_269 = vector.shape_cast %get3A_268 : vector<1x16xf32> to vector<16xf32>
          %mul3A_270 = arith.mulf %get3A_261, %get3A_269 : vector<16xf32>
          %add3A_271 = arith.addf %add3A_253, %mul3A_270 : vector<16xf32>
          %get3A_272 = arith.constant 0 : i32
          %get3A_273 = arith.constant 0 : i32
          %get3A_274 = tpu.memref_slice %arg9[%and3A_137, %get3A_272, %get3A_273] : memref<4x64x128xf32, #tpu.memory_space<vmem>> -> memref<1x64x128xf32, #tpu.memory_space<vmem>>
          %get3A_275 = tpu.memref_squeeze %get3A_274 : memref<1x64x128xf32, #tpu.memory_space<vmem>> -> memref<64x128xf32, #tpu.memory_space<vmem>>
          %get3A_276 = arith.index_cast %add3A_201 : i32 to index
          %get3A_277 = arith.constant 64 : index
          %get3A_278 = tpu.vector_load %get3A_275[%get3A_276, %get3A_277] {strides = array<i32>} : memref<64x128xf32, #tpu.memory_space<vmem>>, vector<1x16xf32>,
          %get3A_279 = vector.shape_cast %get3A_278 : vector<1x16xf32> to vector<16xf32>
          %get3A_280 = arith.constant 0 : i32
          %get3A_281 = arith.constant 0 : i32
          %get3A_282 = tpu.memref_slice %arg10[%and3A_137, %get3A_280, %get3A_281] : memref<4x64x128xf32, #tpu.memory_space<vmem>> -> memref<1x64x128xf32, #tpu.memory_space<vmem>>
          %get3A_283 = tpu.memref_squeeze %get3A_282 : memref<1x64x128xf32, #tpu.memory_space<vmem>> -> memref<64x128xf32, #tpu.memory_space<vmem>>
          %get3A_284 = arith.index_cast %add3A_201 : i32 to index
          %get3A_285 = arith.constant 64 : index
          %get3A_286 = tpu.vector_load %get3A_283[%get3A_284, %get3A_285] {strides = array<i32>} : memref<64x128xf32, #tpu.memory_space<vmem>>, vector<1x16xf32>,
          %get3A_287 = vector.shape_cast %get3A_286 : vector<1x16xf32> to vector<16xf32>
          %mul3A_288 = arith.mulf %get3A_279, %get3A_287 : vector<16xf32>
          %add3A_289 = arith.addf %add3A_271, %mul3A_288 : vector<16xf32>
          %get3A_290 = arith.constant 0 : i32
          %get3A_291 = arith.constant 0 : i32
          %get3A_292 = tpu.memref_slice %arg9[%and3A_137, %get3A_290, %get3A_291] : memref<4x64x128xf32, #tpu.memory_space<vmem>> -> memref<1x64x128xf32, #tpu.memory_space<vmem>>
          %get3A_293 = tpu.memref_squeeze %get3A_292 : memref<1x64x128xf32, #tpu.memory_space<vmem>> -> memref<64x128xf32, #tpu.memory_space<vmem>>
          %get3A_294 = arith.index_cast %add3A_201 : i32 to index
          %get3A_295 = arith.constant 80 : index
          %get3A_296 = tpu.vector_load %get3A_293[%get3A_294, %get3A_295] {strides = array<i32>} : memref<64x128xf32, #tpu.memory_space<vmem>>, vector<1x16xf32>,
          %get3A_297 = vector.shape_cast %get3A_296 : vector<1x16xf32> to vector<16xf32>
          %get3A_298 = arith.constant 0 : i32
          %get3A_299 = arith.constant 0 : i32
          %get3A_300 = tpu.memref_slice %arg10[%and3A_137, %get3A_298, %get3A_299] : memref<4x64x128xf32, #tpu.memory_space<vmem>> -> memref<1x64x128xf32, #tpu.memory_space<vmem>>
          %get3A_301 = tpu.memref_squeeze %get3A_300 : memref<1x64x128xf32, #tpu.memory_space<vmem>> -> memref<64x128xf32, #tpu.memory_space<vmem>>
          %get3A_302 = arith.index_cast %add3A_201 : i32 to index
          %get3A_303 = arith.constant 80 : index
          %get3A_304 = tpu.vector_load %get3A_301[%get3A_302, %get3A_303] {strides = array<i32>} : memref<64x128xf32, #tpu.memory_space<vmem>>, vector<1x16xf32>,
          %get3A_305 = vector.shape_cast %get3A_304 : vector<1x16xf32> to vector<16xf32>
          %mul3A_306 = arith.mulf %get3A_297, %get3A_305 : vector<16xf32>
          %add3A_307 = arith.addf %add3A_289, %mul3A_306 : vector<16xf32>
          %get3A_308 = arith.constant 0 : i32
          %get3A_309 = arith.constant 0 : i32
          %get3A_310 = tpu.memref_slice %arg9[%and3A_137, %get3A_308, %get3A_309] : memref<4x64x128xf32, #tpu.memory_space<vmem>> -> memref<1x64x128xf32, #tpu.memory_space<vmem>>
          %get3A_311 = tpu.memref_squeeze %get3A_310 : memref<1x64x128xf32, #tpu.memory_space<vmem>> -> memref<64x128xf32, #tpu.memory_space<vmem>>
          %get3A_312 = arith.index_cast %add3A_201 : i32 to index
          %get3A_313 = arith.constant 96 : index
          %get3A_314 = tpu.vector_load %get3A_311[%get3A_312, %get3A_313] {strides = array<i32>} : memref<64x128xf32, #tpu.memory_space<vmem>>, vector<1x16xf32>,
          %get3A_315 = vector.shape_cast %get3A_314 : vector<1x16xf32> to vector<16xf32>
          %get3A_316 = arith.constant 0 : i32
          %get3A_317 = arith.constant 0 : i32
          %get3A_318 = tpu.memref_slice %arg10[%and3A_137, %get3A_316, %get3A_317] : memref<4x64x128xf32, #tpu.memory_space<vmem>> -> memref<1x64x128xf32, #tpu.memory_space<vmem>>
          %get3A_319 = tpu.memref_squeeze %get3A_318 : memref<1x64x128xf32, #tpu.memory_space<vmem>> -> memref<64x128xf32, #tpu.memory_space<vmem>>
          %get3A_320 = arith.index_cast %add3A_201 : i32 to index
          %get3A_321 = arith.constant 96 : index
          %get3A_322 = tpu.vector_load %get3A_319[%get3A_320, %get3A_321] {strides = array<i32>} : memref<64x128xf32, #tpu.memory_space<vmem>>, vector<1x16xf32>,
          %get3A_323 = vector.shape_cast %get3A_322 : vector<1x16xf32> to vector<16xf32>
          %mul3A_324 = arith.mulf %get3A_315, %get3A_323 : vector<16xf32>
          %add3A_325 = arith.addf %add3A_307, %mul3A_324 : vector<16xf32>
          %get3A_326 = arith.constant 0 : i32
          %get3A_327 = arith.constant 0 : i32
          %get3A_328 = tpu.memref_slice %arg9[%and3A_137, %get3A_326, %get3A_327] : memref<4x64x128xf32, #tpu.memory_space<vmem>> -> memref<1x64x128xf32, #tpu.memory_space<vmem>>
          %get3A_329 = tpu.memref_squeeze %get3A_328 : memref<1x64x128xf32, #tpu.memory_space<vmem>> -> memref<64x128xf32, #tpu.memory_space<vmem>>
          %get3A_330 = arith.index_cast %add3A_201 : i32 to index
          %get3A_331 = arith.constant 112 : index
          %get3A_332 = tpu.vector_load %get3A_329[%get3A_330, %get3A_331] {strides = array<i32>} : memref<64x128xf32, #tpu.memory_space<vmem>>, vector<1x16xf32>,
          %get3A_333 = vector.shape_cast %get3A_332 : vector<1x16xf32> to vector<16xf32>
          %get3A_334 = arith.constant 0 : i32
          %get3A_335 = arith.constant 0 : i32
          %get3A_336 = tpu.memref_slice %arg10[%and3A_137, %get3A_334, %get3A_335] : memref<4x64x128xf32, #tpu.memory_space<vmem>> -> memref<1x64x128xf32, #tpu.memory_space<vmem>>
          %get3A_337 = tpu.memref_squeeze %get3A_336 : memref<1x64x128xf32, #tpu.memory_space<vmem>> -> memref<64x128xf32, #tpu.memory_space<vmem>>
          %get3A_338 = arith.index_cast %add3A_201 : i32 to index
          %get3A_339 = arith.constant 112 : index
          %get3A_340 = tpu.vector_load %get3A_337[%get3A_338, %get3A_339] {strides = array<i32>} : memref<64x128xf32, #tpu.memory_space<vmem>>, vector<1x16xf32>,
          %get3A_341 = vector.shape_cast %get3A_340 : vector<1x16xf32> to vector<16xf32>
          %mul3A_342 = arith.mulf %get3A_333, %get3A_341 : vector<16xf32>
          %add3A_343 = arith.addf %add3A_325, %mul3A_342 : vector<16xf32>
          %xor3A = arith.constant 8 : i32
          %xor3A_344 = vector.broadcast %xor3A : i32 to vector<16xi32>
          %xor3A_345 = arith.xori %iota3A, %xor3A_344 : vector<16xi32>
          %lt3A_346 = arith.constant 0 : i32
          %lt3A_347 = vector.broadcast %lt3A_346 : i32 to vector<16xi32>
          %lt3A_348 = arith.cmpi slt, %xor3A_345, %lt3A_347 : vector<16xi32>
          %add3A_349 = arith.constant 16 : i32
          %add3A_350 = vector.broadcast %add3A_349 : i32 to vector<16xi32>
          %add3A_351 = arith.addi %xor3A_345, %add3A_350 : vector<16xi32>
          %select_n3A = arith.select %lt3A_348, %add3A_351, %xor3A_345 : vector<16xi1>, vector<16xi32>
          %broadcast_in_dim3A_352 = vector.shape_cast %select_n3A : vector<16xi32> to vector<16x1xi32>
          %gather3A = vector.shape_cast %broadcast_in_dim3A_352 : vector<16x1xi32> to vector<16xi32>
          %gather3A_353 = tpu.dynamic_gather %add3A_343[%gather3A] in [0] : vector<16xf32>, vector<16xi32> -> vector<16xf32>
          %add3A_354 = arith.addf %add3A_343, %gather3A_353 : vector<16xf32>
          %xor3A_355 = arith.constant 4 : i32
          %xor3A_356 = vector.broadcast %xor3A_355 : i32 to vector<16xi32>
          %xor3A_357 = arith.xori %iota3A, %xor3A_356 : vector<16xi32>
          %lt3A_358 = arith.constant 0 : i32
          %lt3A_359 = vector.broadcast %lt3A_358 : i32 to vector<16xi32>
          %lt3A_360 = arith.cmpi slt, %xor3A_357, %lt3A_359 : vector<16xi32>
          %add3A_361 = arith.constant 16 : i32
          %add3A_362 = vector.broadcast %add3A_361 : i32 to vector<16xi32>
          %add3A_363 = arith.addi %xor3A_357, %add3A_362 : vector<16xi32>
          %select_n3A_364 = arith.select %lt3A_360, %add3A_363, %xor3A_357 : vector<16xi1>, vector<16xi32>
          %broadcast_in_dim3A_365 = vector.shape_cast %select_n3A_364 : vector<16xi32> to vector<16x1xi32>
          %gather3A_366 = vector.shape_cast %broadcast_in_dim3A_365 : vector<16x1xi32> to vector<16xi32>
          %gather3A_367 = tpu.dynamic_gather %add3A_354[%gather3A_366] in [0] : vector<16xf32>, vector<16xi32> -> vector<16xf32>
          %add3A_368 = arith.addf %add3A_354, %gather3A_367 : vector<16xf32>
          %xor3A_369 = arith.constant 2 : i32
          %xor3A_370 = vector.broadcast %xor3A_369 : i32 to vector<16xi32>
          %xor3A_371 = arith.xori %iota3A, %xor3A_370 : vector<16xi32>
          %lt3A_372 = arith.constant 0 : i32
          %lt3A_373 = vector.broadcast %lt3A_372 : i32 to vector<16xi32>
          %lt3A_374 = arith.cmpi slt, %xor3A_371, %lt3A_373 : vector<16xi32>
          %add3A_375 = arith.constant 16 : i32
          %add3A_376 = vector.broadcast %add3A_375 : i32 to vector<16xi32>
          %add3A_377 = arith.addi %xor3A_371, %add3A_376 : vector<16xi32>
          %select_n3A_378 = arith.select %lt3A_374, %add3A_377, %xor3A_371 : vector<16xi1>, vector<16xi32>
          %broadcast_in_dim3A_379 = vector.shape_cast %select_n3A_378 : vector<16xi32> to vector<16x1xi32>
          %gather3A_380 = vector.shape_cast %broadcast_in_dim3A_379 : vector<16x1xi32> to vector<16xi32>
          %gather3A_381 = tpu.dynamic_gather %add3A_368[%gather3A_380] in [0] : vector<16xf32>, vector<16xi32> -> vector<16xf32>
          %add3A_382 = arith.addf %add3A_368, %gather3A_381 : vector<16xf32>
          %xor3A_383 = arith.constant 1 : i32
          %xor3A_384 = vector.broadcast %xor3A_383 : i32 to vector<16xi32>
          %xor3A_385 = arith.xori %iota3A, %xor3A_384 : vector<16xi32>
          %lt3A_386 = arith.constant 0 : i32
          %lt3A_387 = vector.broadcast %lt3A_386 : i32 to vector<16xi32>
          %lt3A_388 = arith.cmpi slt, %xor3A_385, %lt3A_387 : vector<16xi32>
          %add3A_389 = arith.constant 16 : i32
          %add3A_390 = vector.broadcast %add3A_389 : i32 to vector<16xi32>
          %add3A_391 = arith.addi %xor3A_385, %add3A_390 : vector<16xi32>
          %select_n3A_392 = arith.select %lt3A_388, %add3A_391, %xor3A_385 : vector<16xi1>, vector<16xi32>
          %broadcast_in_dim3A_393 = vector.shape_cast %select_n3A_392 : vector<16xi32> to vector<16x1xi32>
          %gather3A_394 = vector.shape_cast %broadcast_in_dim3A_393 : vector<16x1xi32> to vector<16xi32>
          %gather3A_395 = tpu.dynamic_gather %add3A_382[%gather3A_394] in [0] : vector<16xf32>, vector<16xi32> -> vector<16xf32>
          %add3A_396 = arith.addf %add3A_382, %gather3A_395 : vector<16xf32>
          %eq3A = vector.broadcast %scan3A_197 : i32 to vector<16xi32>
          %eq3A_397 = arith.cmpi eq, %iota3A, %eq3A : vector<16xi32>
          %select_n3A_398 = arith.select %eq3A_397, %add3A_396, %scan3A_198 : vector<16xi1>, vector<16xf32>
          scf.yield %select_n3A_398 : vector<16xf32>
        }
        %scan3A_180 = arith.constant 16 : i32
        %neg3A = arith.constant 0.000000e+00 : f32
        %neg3A_181 = vector.broadcast %neg3A : f32 to vector<16xf32>
        %neg3A_182 = arith.subf %neg3A_181, %scan3A_179 : vector<16xf32>
        %exp3A = math.exp %neg3A_182 : vector<16xf32>
        %add3A_183 = arith.constant 1.000000e+00 : f32
        %add3A_184 = vector.broadcast %add3A_183 : f32 to vector<16xf32>
        %add3A_185 = arith.addf %add3A_184, %exp3A : vector<16xf32>
        %div3A = arith.constant 1.000000e+00 : f32
        %div3A_186 = vector.broadcast %div3A : f32 to vector<16xf32>
        %div3A_187 = arith.divf %div3A_186, %add3A_185 : vector<16xf32>
        %mul3A_188 = arith.constant 64 : i32
        %mul3A_189 = arith.muli %scan3A_135, %mul3A_188 : i32
        %mul3A_190 = arith.constant 16 : i32
        %mul3A_191 = arith.muli %scan3A_172, %mul3A_190 : i32
        %add3A_192 = arith.addi %mul3A_189, %mul3A_191 : i32
        %swap3A = arith.index_cast %add3A_192 : i32 to index
        %swap3A_193 = tpu.vector_load %arg11[%swap3A] {strides = array<i32>} : memref<512xf32, #tpu.memory_space<vmem>>, vector<16xf32>,
        %swap3A_194 = vector.shape_cast %swap3A_193 : vector<16xf32> to vector<16xf32>
        %swap3A_195 = vector.shape_cast %div3A_187 : vector<16xf32> to vector<16xf32>
        tpu.vector_store %arg11[%swap3A], %swap3A_195 {strides = array<i32>} : memref<512xf32, #tpu.memory_space<vmem>>, vector<16xf32>,
        %scan3A_196 = arith.constant 0 : i32
        scf.yield %scan3A_196 : i32
      }
      %scan3A_166 = arith.constant 4 : i32
      %add3A_167 = arith.constant 4 : i32
      %add3A_168 = arith.addi %scan3A_135, %add3A_167 : i32
      %lt3A = arith.constant 8 : i32
      %lt3A_169 = arith.cmpi slt, %add3A_168, %lt3A : i32
      %convert_element_type3A = arith.extui %lt3A_169 : i1 to i32
      %cond3A = arith.constant 0 : i32
      %cond3A_170 = arith.cmpi ne, %convert_element_type3A, %cond3A : i32
      scf.if %cond3A_170 {
        %add3A_172 = arith.constant 4 : i32
        %add3A_173 = arith.addi %scan3A_135, %add3A_172 : i32
        %jit3A = arith.constant 2 : i32
        %div3A = arith.divsi %add3A_173, %jit3A : i32
        %sign3A = arith.constant 0 : i32
        %sign3A_174 = arith.cmpi sgt, %add3A_173, %sign3A : i32
        %sign3A_175 = arith.extui %sign3A_174 : i1 to i32
        %sign3A_176 = arith.constant 0 : i32
        %sign3A_177 = arith.cmpi slt, %add3A_173, %sign3A_176 : i32
        %sign3A_178 = arith.extui %sign3A_177 : i1 to i32
        %sign3A_179 = arith.subi %sign3A_175, %sign3A_178 : i32
        %sign3A_180 = arith.constant 0 : i32
        %sign3A_181 = arith.cmpi sgt, %jit3A, %sign3A_180 : i32
        %sign3A_182 = arith.extui %sign3A_181 : i1 to i32
        %sign3A_183 = arith.constant 0 : i32
        %sign3A_184 = arith.cmpi slt, %jit3A, %sign3A_183 : i32
        %sign3A_185 = arith.extui %sign3A_184 : i1 to i32
        %sign3A_186 = arith.subi %sign3A_182, %sign3A_185 : i32
        %ne3A = arith.cmpi ne, %sign3A_179, %sign3A_186 : i32
        %rem3A = arith.remsi %add3A_173, %jit3A : i32
        %ne3A_187 = arith.constant 0 : i32
        %ne3A_188 = arith.cmpi ne, %rem3A, %ne3A_187 : i32
        %and3A_189 = arith.andi %ne3A, %ne3A_188 : i1
        %sub3A = arith.constant 1 : i32
        %sub3A_190 = arith.subi %div3A, %sub3A : i32
        %select_n3A = arith.select %and3A_189, %sub3A_190, %div3A : i32
        %jit3A_191 = arith.constant 2 : i32
        %eq3A = arith.constant 0 : i32
        %eq3A_192 = arith.cmpi eq, %jit3A_191, %eq3A : i32
        %jit3A_193 = arith.constant 1 : i32
        %select_n3A_194 = arith.select %eq3A_192, %jit3A_193, %jit3A_191 : i32
        %rem3A_195 = arith.remsi %add3A_173, %select_n3A_194 : i32
        %ne3A_196 = arith.constant 0 : i32
        %ne3A_197 = arith.cmpi ne, %rem3A_195, %ne3A_196 : i32
        %lt3A_198 = arith.constant 0 : i32
        %lt3A_199 = arith.cmpi slt, %rem3A_195, %lt3A_198 : i32
        %lt3A_200 = arith.constant 0 : i32
        %lt3A_201 = arith.cmpi slt, %select_n3A_194, %lt3A_200 : i32
        %ne3A_202 = arith.xori %lt3A_199, %lt3A_201 : i1
        %and3A_203 = arith.andi %ne3A_202, %ne3A_197 : i1
        %add3A_204 = arith.addi %rem3A_195, %select_n3A_194 : i32
        %select_n3A_205 = arith.select %and3A_203, %add3A_204, %rem3A_195 : i32
        %mul3A_206 = arith.constant 64 : i32
        %mul3A_207 = arith.muli %select_n3A_205, %mul3A_206 : i32
        %dma_start3A_208 = arith.constant 0 : i32
        %dma_start3A_209 = arith.constant 0 : i32
        %dma_start3A_210 = tpu.memref_slice %arg9[%and3A_137, %dma_start3A_208, %dma_start3A_209] : memref<4x64x128xf32, #tpu.memory_space<vmem>> -> memref<1x64x128xf32, #tpu.memory_space<vmem>>
        %dma_start3A_211 = tpu.memref_squeeze %dma_start3A_210 : memref<1x64x128xf32, #tpu.memory_space<vmem>> -> memref<64x128xf32, #tpu.memory_space<vmem>>
        %dma_start3A_212 = tpu.memref_slice %arg7[%select_n3A, %mul3A_207] : memref<4x128xi32, #tpu.memory_space<vmem>> -> memref<1x64xi32, #tpu.memory_space<vmem>>
        %dma_start3A_213 = tpu.memref_squeeze %dma_start3A_212 : memref<1x64xi32, #tpu.memory_space<vmem>> -> memref<64xi32, #tpu.memory_space<vmem>>
        %dma_start3A_214 = arith.constant 0 : i32
        %dma_start3A_215 = arith.constant 0 : i32
        %dma_start3A_216 = tpu.memref_slice %arg4[%dma_start3A_214, %dma_start3A_215] : memref<100000x128xf32, #tpu.memory_space<hbm>> -> memref<100000x128xf32, #tpu.memory_space<hbm>>
        tpu.enqueue_indirect_dma source(%dma_start3A_216 : memref<100000x128xf32, #tpu.memory_space<hbm>>) target(%dma_start3A_211 : memref<64x128xf32, #tpu.memory_space<vmem>>) offsets(%dma_start3A_213 : memref<64xi32, #tpu.memory_space<vmem>>) semaphore(%arg12 : memref<!tpu.dma_semaphore, #tpu.memory_space<semaphore_mem>>)
        %jit3A_217 = arith.constant 2 : i32
        %div3A_218 = arith.divsi %add3A_173, %jit3A_217 : i32
        %sign3A_219 = arith.constant 0 : i32
        %sign3A_220 = arith.cmpi sgt, %add3A_173, %sign3A_219 : i32
        %sign3A_221 = arith.extui %sign3A_220 : i1 to i32
        %sign3A_222 = arith.constant 0 : i32
        %sign3A_223 = arith.cmpi slt, %add3A_173, %sign3A_222 : i32
        %sign3A_224 = arith.extui %sign3A_223 : i1 to i32
        %sign3A_225 = arith.subi %sign3A_221, %sign3A_224 : i32
        %sign3A_226 = arith.constant 0 : i32
        %sign3A_227 = arith.cmpi sgt, %jit3A_217, %sign3A_226 : i32
        %sign3A_228 = arith.extui %sign3A_227 : i1 to i32
        %sign3A_229 = arith.constant 0 : i32
        %sign3A_230 = arith.cmpi slt, %jit3A_217, %sign3A_229 : i32
        %sign3A_231 = arith.extui %sign3A_230 : i1 to i32
        %sign3A_232 = arith.subi %sign3A_228, %sign3A_231 : i32
        %ne3A_233 = arith.cmpi ne, %sign3A_225, %sign3A_232 : i32
        %rem3A_234 = arith.remsi %add3A_173, %jit3A_217 : i32
        %ne3A_235 = arith.constant 0 : i32
        %ne3A_236 = arith.cmpi ne, %rem3A_234, %ne3A_235 : i32
        %and3A_237 = arith.andi %ne3A_233, %ne3A_236 : i1
        %sub3A_238 = arith.constant 1 : i32
        %sub3A_239 = arith.subi %div3A_218, %sub3A_238 : i32
        %select_n3A_240 = arith.select %and3A_237, %sub3A_239, %div3A_218 : i32
        %jit3A_241 = arith.constant 2 : i32
        %eq3A_242 = arith.constant 0 : i32
        %eq3A_243 = arith.cmpi eq, %jit3A_241, %eq3A_242 : i32
        %jit3A_244 = arith.constant 1 : i32
        %select_n3A_245 = arith.select %eq3A_243, %jit3A_244, %jit3A_241 : i32
        %rem3A_246 = arith.remsi %add3A_173, %select_n3A_245 : i32
        %ne3A_247 = arith.constant 0 : i32
        %ne3A_248 = arith.cmpi ne, %rem3A_246, %ne3A_247 : i32
        %lt3A_249 = arith.constant 0 : i32
        %lt3A_250 = arith.cmpi slt, %rem3A_246, %lt3A_249 : i32
        %lt3A_251 = arith.constant 0 : i32
        %lt3A_252 = arith.cmpi slt, %select_n3A_245, %lt3A_251 : i32
        %ne3A_253 = arith.xori %lt3A_250, %lt3A_252 : i1
        %and3A_254 = arith.andi %ne3A_253, %ne3A_248 : i1
        %add3A_255 = arith.addi %rem3A_246, %select_n3A_245 : i32
        %select_n3A_256 = arith.select %and3A_254, %add3A_255, %rem3A_246 : i32
        %mul3A_257 = arith.constant 64 : i32
        %mul3A_258 = arith.muli %select_n3A_256, %mul3A_257 : i32
        %dma_start3A_259 = arith.constant 0 : i32
        %dma_start3A_260 = arith.constant 0 : i32
        %dma_start3A_261 = tpu.memref_slice %arg10[%and3A_137, %dma_start3A_259, %dma_start3A_260] : memref<4x64x128xf32, #tpu.memory_space<vmem>> -> memref<1x64x128xf32, #tpu.memory_space<vmem>>
        %dma_start3A_262 = tpu.memref_squeeze %dma_start3A_261 : memref<1x64x128xf32, #tpu.memory_space<vmem>> -> memref<64x128xf32, #tpu.memory_space<vmem>>
        %dma_start3A_263 = tpu.memref_slice %arg8[%select_n3A_240, %mul3A_258] : memref<4x128xi32, #tpu.memory_space<vmem>> -> memref<1x64xi32, #tpu.memory_space<vmem>>
        %dma_start3A_264 = tpu.memref_squeeze %dma_start3A_263 : memref<1x64xi32, #tpu.memory_space<vmem>> -> memref<64xi32, #tpu.memory_space<vmem>>
        %dma_start3A_265 = arith.constant 0 : i32
        %dma_start3A_266 = arith.constant 0 : i32
        %dma_start3A_267 = tpu.memref_slice %arg5[%dma_start3A_265, %dma_start3A_266] : memref<100000x128xf32, #tpu.memory_space<hbm>> -> memref<100000x128xf32, #tpu.memory_space<hbm>>
        tpu.enqueue_indirect_dma source(%dma_start3A_267 : memref<100000x128xf32, #tpu.memory_space<hbm>>) target(%dma_start3A_262 : memref<64x128xf32, #tpu.memory_space<vmem>>) offsets(%dma_start3A_264 : memref<64xi32, #tpu.memory_space<vmem>>) semaphore(%arg13 : memref<!tpu.dma_semaphore, #tpu.memory_space<semaphore_mem>>)
      } else {
      }
      %scan3A_171 = arith.constant 0 : i32
      scf.yield %scan3A_171 : i32
    }
    %scan3A_134 = arith.constant 8 : i32
    "tpu.region"() ({
      %run_scoped3A = tpu.sem_alloc : memref<!tpu.dma_semaphore, #tpu.memory_space<semaphore_mem>>
      %dma_start3A_135 = tpu.memref_slice %arg6[%mul3A_2] : memref<16384xf32, #tpu.memory_space<hbm>> -> memref<512xf32, #tpu.memory_space<hbm>>
      %dma_start3A_136 = tpu.memref_slice %arg6[%mul3A_2] : memref<16384xf32, #tpu.memory_space<hbm>> -> memref<512xf32, #tpu.memory_space<hbm>>
      tpu.enqueue_dma source(%arg11 : memref<512xf32, #tpu.memory_space<vmem>>) target(%dma_start3A_136 : memref<512xf32, #tpu.memory_space<hbm>>) target_semaphore(%run_scoped3A : memref<!tpu.dma_semaphore, #tpu.memory_space<semaphore_mem>>)
      %dma_wait3A_137 = tpu.memref_slice %arg6[%mul3A_2] : memref<16384xf32, #tpu.memory_space<hbm>> -> memref<512xf32, #tpu.memory_space<hbm>>
      %dma_wait3A_138 = tpu.memref_slice %arg6[%mul3A_2] : memref<16384xf32, #tpu.memory_space<hbm>> -> memref<512xf32, #tpu.memory_space<hbm>>
      tpu.wait_dma2 semaphore(%run_scoped3A : memref<!tpu.dma_semaphore, #tpu.memory_space<semaphore_mem>>) src(%arg11 : memref<512xf32, #tpu.memory_space<vmem>>) dst(%dma_wait3A_138 : memref<512xf32, #tpu.memory_space<hbm>>)
      tpu.yield
    }) : () -> ()
    return
  }
}

</mosaic_0001>

<sc_bundles>
// kernel: _run.3.cloned.1.call-start
scs
__scs_entry_jumppad:
0x0: {  	(pc) =	sbr.rel $0x88, $3  }
0x1: {  	(tag) =	ssettag $0x0;
	lr =	simm.s32 $0x1  }
0x2: {  	[smem:$0x3F9D] =	sst lr;
	_ =	strace $0xD0000000  }
0x3: {  	_ = 	snop  }
0x4: {  	_ = 	snop  }
0x5: {  	_ = 	snop  }
0x6: {  	_ = 	snop  }
0x7: {  	_ = 	snop  }
__scs_overlays_trampoline_lowered:
0x8: {  	[smem:$0x3FAC] =	sst s0  }
0x9: {  	[smem:$0x3FAD] =	sst s1  }
0xa: {  	[smem:$0x3FAE] =	sst s2  }
0xb: {  	[smem:$0x3FAF] =	sst s3  }
0xc: {  	[smem:$0x3FB0] =	sst s4  }
0xd: {  	[smem:$0x3FB1] =	sst s5  }
0xe: {  	[smem:$0x3FB2] =	sst s6  }
0xf: {  	[smem:$0x3FB3] =	sst s7  }
0x10: {  	[smem:$0x3FB4] =	sst s8  }
0x11: {  	[smem:$0x3FB5] =	sst s9;
	s0 =	simm.s32 @!p0 $0x0  }
0x12: {  	s1 =	sld [smem:$0x3F9B];
	s0 =	simm.s32 @p0 $0x1  }
0x13: {  	[smem:$0x3FB6] =	sst s0;
	s0 =	simm.s32 @!p1 $0x0  }
0x14: {  	s2 =	sld [smem:$0x3F9A];
	s0 =	simm.s32 @p1 $0x1  }
0x15: {  	[smem:$0x3FB7] =	sst s0;
	s0 =	simm.s32 @!p2 $0x0  }
0x16: {  	s3 =	sld [smem:$0x3FDB];
	s0 =	simm.s32 @p2 $0x1  }
0x17: {  	s4 =	simm.s32 $0x1BF5;
	[smem:$0x3FB9] =	sst s0  }
0x18: {  	s0 =	sld [smem:$0x3F9C];
	_ =	swait.ge [sflag:s4], $0x0  }
0x19: {  	s7 =	sld [smem:$0x3F9D]  }
0x1a: {  	s8 =	sadd.s32 $0xFFFFE003, lr  }
0x1b: {  	s9 =	sadd.s32 $0xFFFFFEF7, lr;
	s5 =	simm.s32 $0xFFFFFFFF;
	p2 =	slt.u32 s8, $0xFFFFF086  }
0x1c: {  	p1 =	slt.u32 s9, $0xF7A;
	s5 =	simm.s32 @!p2 $0x0  }
0x1d: {  	s5 =	simm.s32 @p1 $0x1;
	p0 =	seq.s32 s7, s2  }
0x1e: {  	s7 =	smul.u32 @!p0 $0xF7A, s2;
	p2 =	seq.s32 @!p0 s5, $0x0  }
0x1f: {  	s9 =	smul.u32 $0xF7A, s1;
	s8 =	simm.s32 @!p0 $0x1BF5;
	p2 =	por !p2, p0  }
0x20: {  	[sflag:s8] =	ssyncset.s32 @!p0 $0xFFFFF086;
	s6 =	sadd.s32 @!p0 s3, s7;
	s7 =	simm.s32 @!p0 $0x108  }
0x21: {  	s3 =	sadd.s32 s3, s9;
	s6 =	sadd.s32 @!p0 $0x88, s6;
	s7 =	simm.s32 @p2 $0x1082  }
0x22: {  	[simem:s7], [sflag:s8] =	dma.local @!p0 [hbm:s6], $0xF7A  }
0x23: {  	s9 =	sor.u32 $0xD0000000, s2;
	s6 =	simm.s32 $0x108;
	_ =	swait.ge @!p0 [sflag:s8], $0x0  }
0x24: {  	s3 =	sadd.s32 $0x88, s3;
	s6 =	simm.s32 @!p1 $0x1082;
	[sflag:s4] =	ssyncset.s32 $0xFFFFF086  }
0x25: {  	[simem:s6], [sflag:s4] =	dma.local [hbm:s3], $0xF7A  }
0x26: {  	[smem:$0x3F9D] =	sst s1;
	(tag) =	ssettag s2;
	_ =	strace s9  }
0x27: {  	s1 =	sld [smem:$0x3FAD]  }
0x28: {  	s2 =	sld [smem:$0x3FAE]  }
0x29: {  	s4 =	sld [smem:$0x3FB0]  }
0x2a: {  	p0 =	seq.s32 s5, $0x0;
	s5 =	sld [smem:$0x3FB1]  }
0x2b: {  	s6 =	sld [smem:$0x3FB2]  }
0x2c: {  	s7 =	sld [smem:$0x3FB3]  }
0x2d: {  	s3 =	simm.s32 $0x108;
	s8 =	sld [smem:$0x3FB4]  }
0x2e: {  	s3 =	simm.s32 @!p0 $0x1082;
	s9 =	sld [smem:$0x3FB5]  }
0x2f: {  	lr =	sadd.s32 s0, s3;
	s0 =	sld [smem:$0x3FAC]  }
0x30: {  	s3 =	sld [smem:$0x3FAF]  }
0x31: {  	[smem:$0x3FB8] =	sst s10  }
0x32: {  	s10 =	sld [smem:$0x3FB6];
	_ =	sdelay $0x3  }
0x33: {  	p0 =	seq.s32 s10, $0x1;
	s10 =	sld [smem:$0x3FB8];
	_ =	sdelay $0x3  }
0x34: {  	[smem:$0x3FB8] =	sst s10  }
0x35: {  	s10 =	sld [smem:$0x3FB7];
	_ =	sdelay $0x3  }
0x36: {  	p1 =	seq.s32 s10, $0x1;
	s10 =	sld [smem:$0x3FB8];
	_ =	sdelay $0x3  }
0x37: {  	[smem:$0x3FB8] =	sst s10  }
0x38: {  	s10 =	sld [smem:$0x3FB9]  }
0x39: {  	_ = 	snop;
	(pc) =	sbr.ind lr, $3  }
0x3a: {  	_ = 	snop  }
0x3b: {  	_ = 	snop  }
0x3c: {  	p2 =	seq.s32 s10, $0x1;
	s10 =	sld [smem:$0x3FB8]  }
0x3d: {  	_ =	shalt  }
0x3e: {  	_ =	shalt  }
0x3f: {  	_ =	shalt  }
0x40: {  	_ =	shalt  }
0x41: {  	_ =	shalt  }
0x42: {  	_ =	shalt  }
0x43: {  	_ =	shalt  }
0x44: {  	_ =	shalt  }
0x45: {  	_ =	shalt  }
0x46: {  	_ =	shalt  }
0x47: {  	_ =	shalt  }
0x48: {  	_ =	shalt  }
0x49: {  	_ =	shalt  }
0x4a: {  	_ =	shalt  }
0x4b: {  	_ =	shalt  }
0x4c: {  	_ =	shalt  }
0x4d: {  	_ =	shalt  }
0x4e: {  	_ =	shalt  }
0x4f: {  	_ =	shalt  }
0x50: {  	_ =	shalt  }
0x51: {  	_ =	shalt  }
0x52: {  	_ =	shalt  }
0x53: {  	_ =	shalt  }
0x54: {  	_ =	shalt  }
0x55: {  	_ =	shalt  }
0x56: {  	_ =	shalt  }
0x57: {  	_ =	shalt  }
0x58: {  	_ =	shalt  }
0x59: {  	_ =	shalt  }
0x5a: {  	_ =	shalt  }
0x5b: {  	_ =	shalt  }
0x5c: {  	_ =	shalt  }
0x5d: {  	_ =	shalt  }
0x5e: {  	_ =	shalt  }
0x5f: {  	_ =	shalt  }
0x60: {  	_ =	shalt  }
0x61: {  	_ =	shalt  }
0x62: {  	_ =	shalt  }
0x63: {  	_ =	shalt  }
0x64: {  	_ =	shalt  }
0x65: {  	_ =	shalt  }
0x66: {  	_ =	shalt  }
0x67: {  	_ =	shalt  }
0x68: {  	_ =	shalt  }
0x69: {  	_ =	shalt  }
0x6a: {  	_ =	shalt  }
0x6b: {  	_ =	shalt  }
0x6c: {  	_ =	shalt  }
0x6d: {  	_ =	shalt  }
0x6e: {  	_ =	shalt  }
0x6f: {  	_ =	shalt  }
0x70: {  	_ =	shalt  }
0x71: {  	_ =	shalt  }
0x72: {  	_ =	shalt  }
0x73: {  	_ =	shalt  }
0x74: {  	_ =	shalt  }
0x75: {  	_ =	shalt  }
0x76: {  	_ =	shalt  }
0x77: {  	_ =	shalt  }
0x78: {  	_ =	shalt  }
0x79: {  	_ =	shalt  }
0x7a: {  	_ =	shalt  }
0x7b: {  	_ =	shalt  }
0x7c: {  	_ =	shalt  }
0x7d: {  	_ =	shalt  }
0x7e: {  	_ =	shalt  }
0x7f: {  	_ =	shalt  }
0x80: {  	_ =	shalt  }
0x81: {  	_ =	shalt  }
0x82: {  	_ =	shalt  }
0x83: {  	_ =	shalt  }
0x84: {  	_ =	shalt  }
0x85: {  	_ =	shalt  }
0x86: {  	_ =	shalt  }
0x87: {  	_ =	shalt  }
.Lfunc_end0:
.L_simem_size_0:
called_computation_lowered:
.L_overlay_start_0:
0x88: {  	s2 =	sld [smem:$0x3FD9]  }
0x89: {  	s3 =	sld [smem:$0x3FFE];
	_ =	sdelay $0x1  }
0x8a: {  	s1 =	srdreg.scid  }
0x8b: {  	s0 =	sand.u32 $0x1, s1  }
0x8c: {  	s18 =	sshll.u32 s0, $0xA;
	s2 =	sadd.s32 s3, s2  }
0x8d: {  	s2 =	sadd.s32 s2, s18  }
0x8e: {  	[smem:$0x3FC4] =	sst s2  }
0x8f: {  	_ = 	snop  }
0x90: {  	s2 =	sld [smem:$0x3FC9]  }
0x91: {  	s19 =	sld [smem:$0x3FC8]  }
0x92: {  	s4 =	sld [smem:$0x3FC7]  }
0x93: {  	s5 =	sld [smem:$0x3FC6]  }
0x94: {  	s6 =	sld [smem:$0x3FD0];
	(tm) =	ssettm $0x1  }
0x95: {  	s7 =	sld [smem:$0x3FFB];
	_ =	sdelay $0x3  }
0x96: {  	_ =	strace s7  }
0x97: {  	s7 =	sld [smem:$0x3FFC];
	_ =	sdelay $0x3  }
0x98: {  	_ =	strace s7  }
0x99: {  	s7 =	sld [smem:$0x3FFD];
	_ =	sdelay $0x3  }
0x9a: {  	_ =	strace s7  }
0x9b: {  	_ =	strace $0x8FFFFFFF  }
0x9c: {  	s20 =	sld [smem:$0x3FDB];
	_ =	sdelay $0x1  }
0x9d: {  	s8 =	simm.s32 $_scs_section_size  }
0x9e: {  	s9 =	simm.s32 $_size__tile_overlayer_lowered;
	s10 =	simm.s32 $_tile_overlayer_lowered  }
0x9f: {  	s23 =	simm.s32 $0x1BFF;
	s22 =	sshll.u32 s10, $0x1;
	s7 =	sadd.s32 s8, s20  }
0xa0: {  	s11 =	simm.s32 $0x0;
	s21 =	sshll.u32 s9, $0x1;
	s9 =	sadd.s32 s22, s7  }
0xa1: {  	[timem:s11], [sflag:s23] =	dma.local [hbm:s9], s21  }
0xa2: {  	_ =	swait.ge [sflag:s23], s21  }
0xa3: {  	s8 =	ssub.s32 $0x0, s21;
	[sflag:s23] =	ssyncset.done $0x0  }
0xa4: {  	[sflag:s23] =	ssyncadd.s32 s8;
	_ =	sdelay $0x1  }
0xa5: {  	s24 =	simm.s32 $0x1B8B  }
0xa6: {  	_ =	swait.ge [sflag:s24], $0x1  }
0xa7: {  	[sflag:s24] =	ssyncset.done $0x0  }
0xa8: {  	s25 =	simm.s32 $0x1B8E;
	[sflag:s24] =	ssyncadd.s32 $0xFFFFFFFF  }
0xa9: {  	s26 =	simm.s32 $execute0_lowered;
	[smem:$0x3FD2] =	sst s25  }
0xaa: {  	s8 =	sshll.u32 s26, $0x1;
	_ =	strace $0x80000046;
	[dreg:$0x1] =	wrdreg $0xFFFFFFFF  }
0xab: {  	s28 =	simm.s32 $_size_execute0_lowered;
	s7 =	sadd.s32 s7, s8;
	[dreg:$0x0] =	wrdreg $0x0  }
0xac: {  	s8 =	sshll.u32 s28, $0x1;
	[dreg:$0x2] =	wrdreg s7  }
0xad: {  	[dreg:$0x3] =	wrdreg s8  }
0xae: {  	[dreg:$0x4] =	wrdreg $0xC0  }
0xaf: {  	_ =	task [dreg:s11], $0x5FFFF  }
0xb0: {  	[dreg:$0x1] =	wrdreg $0xFFFFFFFF  }
0xb1: {  	[dreg:$0x0] =	wrdreg $0x60  }
0xb2: {  	[dreg:$0x2] =	wrdreg s2  }
0xb3: {  	[dreg:$0x3] =	wrdreg s19  }
0xb4: {  	[dreg:$0x4] =	wrdreg s4  }
0xb5: {  	[dreg:$0x5] =	wrdreg s5  }
0xb6: {  	[dreg:$0x6] =	wrdreg s6  }
0xb7: {  	[dreg:$0x7] =	wrdreg $0x9  }
0xb8: {  	_ =	task.clear_ibuf [dreg:s11], $0x8FFFF;
	_ =	strace $0x90000046  }
0xb9: {  	s29 =	simm.s32 $0x9;
	_ =	strace $0x80000048  }
0xba: {  	_ =	swait.ge [sflag:s29], $0x1  }
0xbb: {  	[sflag:s29] =	ssyncadd.s32 $0xFFFFFFFF  }
0xbc: {  	_ =	strace $0x90000048  }
0xbd: {  	_ =	sfence  }
0xbe: {  	s30 =	sld [smem:$0x0];
	_ =	sdelay $0x2  }
0xbf: {  	s31 =	sshll.u32 s1, $0xD;
	s1 =	sshrl.u32 s1, $0x2  }
0xc0: {  	s3 =	sand.u32 $0x4000, s31;
	s1 =	sadd.s32 s1, s30  }
0xc1: {  	s0 =	sor.u32 s3, s0;
	s1 =	sshll.u32 s1, $0x11  }
0xc2: {  	s0 =	sor.u32 s1, s0  }
0xc3: {  	s0 =	sadd.s32 $0x8F2B, s0  }
0xc4: {  	[sflag:s0] =	ssyncadd.remote.s32 $0x1  }
0xc5: {  	_ =	sfence.sel $0xFFFF  }
0xc6: {  	[dreg:$0x0] =	wrdreg $0xFFFFFFFF;
	(pc) =	sbr.abs _section_cstart, $3  }
0xc7: {  	[dreg:$0x1] =	wrdreg $0xFFFFFFFF  }
0xc8: {  	_ =	task.clear_ibuf [dreg:s11], $0x2FFFF;
	_ =	strace $0x9FFFFFFF  }
0xc9: {  	(tm) =	ssettm $0x7FFFFFFF  }
tec
execute0_lowered:
.L_overlay_start_1:
0x0: {  	(tag) =	ssettag $0x1  }
0x1: {  	s0 =	rddreg [dreg:$0x0]  }
0x2: {  	s3 =	rddreg [dreg:$0x1]  }
0x3: {  	s1 =	rddreg [dreg:$0x2]  }
0x4: {  	s2 =	rddreg [dreg:$0x3];
	v0 =	vimm.s32 $0xFEDCBA98;
	v1 =	vimm.s32 $0x76543210  }
0x5: {  	s7 =	rddreg [dreg:$0x4];
	v2 =	vimm.s32 $0xBA98FEDC;
	v3 =	vimm.s32 $0x32107654;
	v4 =	vimm.s32 $0xDCFE98BA  }
0x6: {  	s5 =	srdreg.scid;
	s4 =	simm.s32 $0x0;
	s9 =	stileid.u32;
	v5 =	vimm.s32 $0x54761032;
	v6 =	vimm.s32 $0xEFCDAB89;
	v7 =	vimm.s32 $0x67452301  }
0x7: {  	s11 =	simm.s32 $0x1;
	s12 =	simm.s32 $0x2;
	s13 =	simm.s32 $0x40;
	v0 =	vunpack.c.l.s4.s8 v0;
	v1 =	vunpack.c.l.s4.s8 v1;
	v2 =	vunpack.c.l.s4.s8 v2  }
0x8: {  	s22 =	simm.s32 $0xC0;
	s23 =	simm.s32 $0x6400;
	s24 =	simm.s32 $0x2C0;
	v3 =	vunpack.c.l.s4.s8 v3;
	v4 =	vunpack.c.l.s4.s8 v4;
	v5 =	vunpack.c.l.s4.s8 v5  }
0x9: {  	s25 =	simm.s32 $0xE400;
	s26 =	simm.s32 $0x10400;
	s28 =	simm.s32 $0x3;
	v6 =	vunpack.c.l.s4.s8 v6;
	v7 =	vunpack.c.l.s4.s8 v7;
	v0 =	vunpack.c.0.s8.s32 v0  }
0xa: {  	s29 =	simm.s32 $0x0;
	s5 =	sand.u32 $0x1, s5;
	[smem:$0x7FF] =	sst s4;
	v1 =	vunpack.c.0.s8.s32 v1;
	v2 =	vunpack.c.0.s8.s32 v2;
	v3 =	vunpack.c.0.s8.s32 v3  }
0xb: {  	s9 =	sshll.u32 s9, $0x7;
	s6 =	ssub.s32 $0x2, s5;
	s5 =	sshll.u32 s5, $0x6;
	v6 =	vunpack.c.0.s8.s32 v6;
	v7 =	vunpack.c.0.s8.s32 v7;
	v0 =	vand.u32 $0xF, v0  }
0xc: {  	_ =	strace $0x80000047;
	s8 =	sshrl.u32 s6, $0x1;
	s9 =	sor.u32 s5, s9;
	v4 =	vunpack.c.0.s8.s32 v4;
	v5 =	vunpack.c.0.s8.s32 v5;
	v0 =	vcombine.low v0, v1  }
0xd: {  	s8 =	ssub.s32 s6, s8;
	s5 =	sadd.s32 s0, s9;
	s6 =	sadd.s32 s3, s9;
	v1 =	vcombine.low v3, v2;
	v3 =	vcombine.low v7, v6  }
0xe: {  	s7 =	sadd.s32 s7, s9;
	s9 =	simm.s32 $0x200;
	s8 =	smax.u32 s8, $0x1;
	v2 =	vcombine.low v5, v4;
	v4 =	vlaneseq.u32  }
.LBB2_1:
0xf: {  	[tilespmem:s4], [sflag:$0x1] =	stream.linear.gather [hbm4b:s5+s4], $0x200, $0x38;
	[tilespmem:$0x10600] =	vst v63  }
0x10: {  	_ = 	snop  }
0x11: {  	[tilespmem:s9], [sflag:$0x2] =	stream.linear.gather [hbm4b:s6+s4], $0x200, $0x38;
	[tilespmem:$0x10600] =	vst v63  }
0x12: {  	_ =	swait.ge [sflag:s11], $0x200  }
0x13: {  	[sflag:s11] =	ssyncset.done $0x0  }
0x14: {  	[sflag:s11] =	ssyncadd.s32 $0xFFFFFE00  }
0x15: {  	_ =	swait.ge [sflag:s12], $0x200  }
0x16: {  	[sflag:s12] =	ssyncset.done $0x0  }
0x17: {  	s0 =	simm.s32 $0x400;
	[sflag:s12] =	ssyncadd.s32 $0xFFFFFE00  }
0x18: {  	[tilespmem:s0], [sflag:$0x1] =	stream.indirect.gather [hbm4b:s1+s13], $0x80, s4, s13, $0xb8;
	[tilespmem:$0x10600] =	vst v63  }
0x19: {  	s15 =	simm.s32 $0x8400  }
0x1a: {  	[tilespmem:s15], [sflag:$0x2] =	stream.indirect.gather [hbm4b:s2+s13], $0x80, s9, s13, $0xb8;
	[tilespmem:$0x10600] =	vst v63  }
0x1b: {  	s16 =	simm.s32 $0x2400  }
0x1c: {  	[tilespmem:s16], [sflag:$0x1] =	stream.indirect.gather [hbm4b:s1+s13], $0x80, s13, s13, $0xb8;
	[tilespmem:$0x10600] =	vst v63  }
0x1d: {  	s17 =	simm.s32 $0x240;
	s3 =	simm.s32 $0xA400  }
0x1e: {  	[tilespmem:s3], [sflag:$0x2] =	stream.indirect.gather [hbm4b:s2+s13], $0x80, s17, s13, $0xb8;
	[tilespmem:$0x10600] =	vst v63  }
0x1f: {  	s18 =	simm.s32 $0x80;
	s19 =	simm.s32 $0x4400  }
0x20: {  	[tilespmem:s19], [sflag:$0x1] =	stream.indirect.gather [hbm4b:s1+s13], $0x80, s18, s13, $0xb8;
	[tilespmem:$0x10600] =	vst v63  }
0x21: {  	s20 =	simm.s32 $0x280;
	s21 =	simm.s32 $0xC400  }
0x22: {  	[tilespmem:s21], [sflag:$0x2] =	stream.indirect.gather [hbm4b:s2+s13], $0x80, s20, s13, $0xb8;
	[tilespmem:$0x10600] =	vst v63  }
0x23: {  	_ = 	snop  }
0x24: {  	[tilespmem:s23], [sflag:$0x1] =	stream.indirect.gather [hbm4b:s1+s13], $0x80, s22, s13, $0xb8;
	[tilespmem:$0x10600] =	vst v63  }
0x25: {  	s30 =	simm.s32 $0x0;
	s31 =	simm.s32 $0x0  }
0x26: {  	[tilespmem:s25], [sflag:$0x2] =	stream.indirect.gather [hbm4b:s2+s13], $0x80, s24, s13, $0xb8;
	[tilespmem:$0x10600] =	vst v63  }
.LBB2_2:
0x27: {  	s0 =	sshll.u32 s30, $0xD;
	_ =	swait.ge [sflag:s11], $0x2000;
	s10 =	sshll.u32 s31, $0xD  }
0x28: {  	s14 =	sshll.u32 s31, $0x6;
	s3 =	sand.u32 $0x6000, s0;
	[sflag:s11] =	ssyncset.done $0x0  }
0x29: {  	s15 =	sand.u32 $0x6000, s10;
	s14 =	sand.u32 $0x3FFFFFC0, s14;
	[sflag:s11] =	ssyncadd.s32 $0xFFFFE000  }
0x2a: {  	s0 =	sor.u32 $0x440, s3;
	s3 =	sor.u32 $0x8440, s3;
	_ =	swait.ge [sflag:s12], $0x2000  }
0x2b: {  	s10 =	sor.u32 $0x400, s15;
	s16 =	sadd.s32 $0x10400, s14;
	[sflag:s12] =	ssyncset.done $0x0  }
0x2c: {  	s14 =	sor.u32 $0x8400, s15;
	s15 =	simm.s32 $0x0;
	v5 =	vmov s16;
	[sflag:s12] =	ssyncadd.s32 $0xFFFFE000  }
.LBB2_3:
0x2d: {  	v6 =	vld [tilespmem:s0+$0xFFFFFFC0]  }
0x2e: {  	v7 =	vld [tilespmem:s3+$0xFFFFFFC0]  }
0x2f: {  	v8 =	vld [tilespmem:s0+$0xFFFFFFD0]  }
0x30: {  	v9 =	vld [tilespmem:s3+$0xFFFFFFD0]  }
0x31: {  	v10 =	vld [tilespmem:s0+$0xFFFFFFE0]  }
0x32: {  	v11 =	vld [tilespmem:s3+$0xFFFFFFE0]  }
0x33: {  	v12 =	vld [tilespmem:s0+$0xFFFFFFF0]  }
0x34: {  	v13 =	vld [tilespmem:s3+$0xFFFFFFF0]  }
0x35: {  	v14 =	vld [tilespmem:s0+$0x0];
	v6 =	vmul.f32 v7, v6;
	v7 =	vmul.f32 v9, v8  }
0x36: {  	v8 =	vld [tilespmem:s3+$0x0]  }
0x37: {  	v9 =	vld [tilespmem:s0+$0x10];
	v6 =	vadd.f32 v7, v6;
	v7 =	vmul.f32 v11, v10  }
0x38: {  	v10 =	vld [tilespmem:s3+$0x10]  }
0x39: {  	v11 =	vld [tilespmem:s0+$0x20];
	v6 =	vadd.f32 v7, v6;
	v7 =	vmul.f32 v13, v12  }
0x3a: {  	v12 =	vld [tilespmem:s3+$0x20]  }
0x3b: {  	v13 =	vld [tilespmem:s0+$0x30];
	v6 =	vadd.f32 v7, v6;
	v7 =	vmul.f32 v8, v14  }
0x3c: {  	s16 =	sadd.s32 $0x80, s0;
	v8 =	vld [tilespmem:s3+$0x30]  }
0x3d: {  	s17 =	sadd.s32 $0x80, s3;
	v14 =	vld [tilespmem:s16+$0xFFFFFFC0];
	v6 =	vadd.f32 v7, v6;
	v7 =	vmul.f32 v10, v9  }
0x3e: {  	v9 =	vld [tilespmem:s17+$0xFFFFFFC0]  }
0x3f: {  	v10 =	vld [tilespmem:s16+$0xFFFFFFD0];
	v6 =	vadd.f32 v7, v6;
	v7 =	vmul.f32 v12, v11  }
0x40: {  	v11 =	vld [tilespmem:s17+$0xFFFFFFD0]  }
0x41: {  	v12 =	vld [tilespmem:s16+$0xFFFFFFE0];
	v6 =	vadd.f32 v7, v6;
	v7 =	vmul.f32 v8, v13  }
0x42: {  	v8 =	vld [tilespmem:s17+$0xFFFFFFE0]  }
0x43: {  	v13 =	vld [tilespmem:s16+$0xFFFFFFF0];
	v6 =	vadd.f32 v7, v6  }
0x44: {  	v9 =	vmul.f32 v9, v14;
	v7 =	vld [tilespmem:s17+$0xFFFFFFF0]  }
0x45: {  	v15 =	vld [tilespmem:s17+$0x0];
	v10 =	vmul.f32 v11, v10;
	v11 =	vperm.xlane v6, v0  }
0x46: {  	v14 =	vld [tilespmem:s16+$0x0]  }
0x47: {  	v16 =	vld [tilespmem:s16+$0x10];
	v9 =	vadd.f32 v10, v9;
	v8 =	vmul.f32 v8, v12;
	v6 =	vadd.f32 v6, v11  }
0x48: {  	v11 =	vld [tilespmem:s17+$0x10]  }
0x49: {  	v17 =	vld [tilespmem:s16+$0x20];
	v8 =	vadd.f32 v8, v9;
	v9 =	vmul.f32 v7, v13;
	v10 =	vperm.xlane v6, v1  }
0x4a: {  	v18 =	vld [tilespmem:s17+$0x20]  }
0x4b: {  	v12 =	vmul.f32 v15, v14;
	v7 =	vld [tilespmem:s16+$0x30];
	v9 =	vadd.f32 v9, v8;
	v15 =	vadd.f32 v6, v10  }
0x4c: {  	s19 =	sadd.s32 $0x80, s16;
	v8 =	vld [tilespmem:s17+$0x30]  }
0x4d: {  	s20 =	sadd.s32 $0x80, s17;
	v10 =	vld [tilespmem:s19+$0xFFFFFFC0];
	v9 =	vadd.f32 v12, v9;
	v13 =	vmul.f32 v11, v16;
	v16 =	vperm.xlane v15, v2  }
0x4e: {  	v11 =	vld [tilespmem:s20+$0xFFFFFFC0]  }
0x4f: {  	s21 =	simm.s32 $0x3;
	v14 =	vmul.f32 v18, v17;
	v12 =	vld [tilespmem:s19+$0xFFFFFFD0];
	v13 =	vadd.f32 v13, v9;
	v9 =	vadd.f32 v15, v16  }
0x50: {  	s18 =	simm.s32 $0x0;
	s16 =	simm.s32 $0x2;
	s17 =	simm.s32 $0x1;
	v6 =	vimm.f32 $0.0e+00;
	v15 =	vld [tilespmem:s20+$0xFFFFFFD0]  }
.LBB2_4:
0x51: {  	p0 =	sne.s32 s21, $0xF;
	v16 =	vld [tilespmem:s19+$0xFFFFFFE0];
	v13 =	vadd.f32 v14, v13;
	v7 =	vmul.f32 v8, v7;
	v8 =	vperm.xlane v9, v3  }
0x52: {  	v14 =	vld [tilespmem:s20+$0xFFFFFFE0]  }
0x53: {  	v17 =	vld [tilespmem:s19+$0xFFFFFFF0];
	v7 =	vadd.f32 v7, v13;
	v8 =	vadd.f32 v9, v8;
	v9 =	vmov s18;
	s18 =	smov.u32 s17;
	s17 =	smov.u32 s16;
	s16 =	smov.u32 s21  }
0x54: {  	v10 =	vmul.f32 v11, v10;
	v11 =	vld [tilespmem:s20+$0xFFFFFFF0];
	vm0 =	veq.s32 v9, v4  }
0x55: {  	v9 =	vmul.f32 v15, v12;
	v12 =	vld [tilespmem:s19+$0x0];
	v13 =	vperm.xlane v7, v0;
	v6 =	vsel vm0, v8, v6  }
0x56: {  	v8 =	vld [tilespmem:s20+$0x0]  }
0x57: {  	v9 =	vadd.f32 v9, v10;
	v10 =	vmul.f32 v14, v16;
	v14 =	vld [tilespmem:s19+$0x10];
	v13 =	vadd.f32 v7, v13  }
0x58: {  	v15 =	vld [tilespmem:s20+$0x10]  }
0x59: {  	v7 =	vadd.f32 v10, v9;
	v9 =	vmul.f32 v11, v17;
	v16 =	vld [tilespmem:s19+$0x20];
	v10 =	vperm.xlane v13, v1  }
0x5a: {  	v17 =	vld [tilespmem:s20+$0x20]  }
0x5b: {  	v9 =	vadd.f32 v9, v7;
	v11 =	vmul.f32 v8, v12;
	v7 =	vld [tilespmem:s19+$0x30];
	v18 =	vadd.f32 v13, v10  }
.Ltmp0:
0x5c: {  	s19 =	sadd.s32 $0x80, s19;
	v8 =	vld [tilespmem:s20+$0x30];
	(pc) =	sbr.rel @p0 .LBB2_4-.Ltmp0, $4  }
0x5d: {  	s20 =	sadd.s32 $0x80, s20;
	v10 =	vld [tilespmem:s19+$0xFFFFFFC0];
	v9 =	vadd.f32 v11, v9;
	v13 =	vmul.f32 v15, v14;
	v15 =	vperm.xlane v18, v2  }
0x5e: {  	v11 =	vld [tilespmem:s20+$0xFFFFFFC0]  }
0x5f: {  	v12 =	vld [tilespmem:s19+$0xFFFFFFD0];
	v13 =	vadd.f32 v13, v9;
	v14 =	vmul.f32 v17, v16;
	v9 =	vadd.f32 v18, v15  }
0x60: {  	s21 =	sadd.s32 $0x1, s21;
	v15 =	vld [tilespmem:s20+$0xFFFFFFD0]  }
0x61: {  	v16 =	vld [tilespmem:s19+$0xFFFFFFE0]  }
0x62: {  	v17 =	vld [tilespmem:s20+$0xFFFFFFE0]  }
0x63: {  	v18 =	vld [tilespmem:s19+$0xFFFFFFF0]  }
0x64: {  	v19 =	vld [tilespmem:s20+$0xFFFFFFF0]  }
0x65: {  	v41 =	vld [tilespmem:s19+$0x0];
	v10 =	vmul.f32 v11, v10;
	v40 =	vmul.f32 v15, v12  }
0x66: {  	v42 =	vld [tilespmem:s20+$0x0]  }
0x67: {  	v44 =	vld [tilespmem:s19+$0x10];
	v43 =	vmul.f32 v17, v16;
	v10 =	vadd.f32 v40, v10  }
0x68: {  	v45 =	vld [tilespmem:s20+$0x10]  }
0x69: {  	v47 =	vld [tilespmem:s19+$0x20];
	v46 =	vmul.f32 v19, v18;
	v10 =	vadd.f32 v43, v10  }
0x6a: {  	v48 =	vld [tilespmem:s20+$0x20]  }
0x6b: {  	v50 =	vld [tilespmem:s19+$0x30];
	v49 =	vmul.f32 v42, v41;
	v10 =	vadd.f32 v46, v10  }
0x6c: {  	v51 =	vld [tilespmem:s20+$0x30]  }
0x6d: {  	v52 =	vmul.f32 v45, v44;
	v10 =	vadd.f32 v49, v10;
	_ =	sdelay $0x1  }
0x6e: {  	v53 =	vmul.f32 v48, v47;
	v10 =	vadd.f32 v52, v10  }
0x6f: {  	v13 =	vadd.f32 v14, v13;
	v7 =	vmul.f32 v8, v7  }
0x70: {  	v55 =	vmul.f32 v51, v50;
	v54 =	vadd.f32 v53, v10  }
0x71: {  	v7 =	vadd.f32 v7, v13  }
0x72: {  	v8 =	vadd.f32 v55, v54  }
0x73: {  	v56 =	vperm.xlane v7, v0  }
0x74: {  	v57 =	vperm.xlane v8, v0  }
0x75: {  	v7 =	vadd.f32 v7, v56  }
0x76: {  	v8 =	vadd.f32 v8, v57  }
0x77: {  	v10 =	vperm.xlane v7, v1  }
0x78: {  	v11 =	vperm.xlane v8, v1  }
0x79: {  	v7 =	vadd.f32 v7, v10  }
0x7a: {  	v8 =	vadd.f32 v8, v11  }
0x7b: {  	v10 =	vperm.xlane v7, v2  }
0x7c: {  	v11 =	vperm.xlane v8, v2  }
0x7d: {  	v7 =	vadd.f32 v7, v10  }
0x7e: {  	v58 =	vperm.xlane v9, v3;
	v8 =	vadd.f32 v8, v11  }
0x7f: {  	v59 =	vmov s18;
	v60 =	vperm.xlane v7, v3  }
0x80: {  	v62 =	vmov s17;
	v9 =	vadd.f32 v9, v58;
	v61 =	vperm.xlane v8, v3  }
0x81: {  	v63 =	vmov s16;
	vm0 =	veq.s32 v59, v4;
	v7 =	vadd.f32 v7, v60  }
0x82: {  	vm14 =	veq.s32 v62, v4;
	v6 =	vsel vm0, v9, v6;
	v8 =	vadd.f32 v8, v61  }
0x83: {  	vm15 =	veq.s32 v63, v4;
	v6 =	vsel vm14, v7, v6  }
0x84: {  	v6 =	vsel vm15, v8, v6  }
0x85: {  	v6 =	vsub.f32 $0.0e+00, v6;
	_ =	sdelay $0x1  }
0x86: {  	v6 =	vmul.f32 $1.442695020e+00, v6;
	_ =	sdelay $0x1  }
0x87: {  	(erf) = vpow2.f32 v6;
	_ =	sdelay $0x8  }
0x88: {  	v6 =	vpop (erf)  }
0x89: {  	v6 =	vadd.f32 $1.000000000e+00, v6;
	_ =	sdelay $0x1  }
0x8a: {  	(erf) = vrcp.f32 v6;
	_ =	sdelay $0x3  }
0x8b: {  	s21 =	sshll.u32 s15, $0x4;
	s15 =	sadd.s32 $0x1, s15  }
0x8c: {  	p0 =	sne.s32 s15, $0x4  }
.Ltmp1:
0x8d: {  	_ = 	snop;
	(pc) =	sbr.rel @p0 .LBB2_3-.Ltmp1, $3  }
0x8e: {  	_ =	sdelay $0x1  }
0x8f: {  	s16 =	sand.u32 $0x3FFFFFF0, s21;
	v6 =	vpop (erf)  }
0x90: {  	s0 =	sadd.s32 $0x800, s0;
	s3 =	sadd.s32 $0x800, s3;
	[tilespmem:v5+s16+$0x0 ss:$0x1] =	vst.idx.msk $0xffff, v6  }
0x91: {  	p0 =	sgt.u32 s31, $0x3  }
0x92: {  	s0 =	sshll.u32 @!p0 s31, $0x6  }
0x93: {  	s15 =	simm.s32 @!p0 $0x40;
	s3 =	sor.u32 @!p0 $0x100, s0  }
0x94: {  	[tilespmem:s10], [sflag:$0x1] =	stream.indirect.gather @!p0 [hbm4b:s1+s15], $0x80, s3, s15, $0xb8;
	[tilespmem:$0x10600] =	vst v63  }
0x95: {  	s31 =	sadd.s32 $0x1, s31;
	s0 =	sadd.s32 @!p0 $0x300, s0  }
0x96: {  	[tilespmem:s14], [sflag:$0x2] =	stream.indirect.gather @!p0 [hbm4b:s2+s15], $0x80, s0, s15, $0xb8;
	[tilespmem:$0x10600] =	vst v63  }
0x97: {  	p0 =	sne.s32 s31, $0x8  }
.Ltmp2:
0x98: {  	_ = 	snop;
	(pc) =	sbr.rel @p0 .LBB2_2-.Ltmp2, $2  }
0x99: {  	_ =	sdelay $0x2  }
0x9a: {  	s30 =	sadd.s32 $0x1, s30  }
0x9b: {  	s29 =	sadd.s32 $0x1, s29  }
0x9c: {  	p0 =	sne.s32 s29, s8  }
.Ltmp3:
0x9d: {  	_ = 	snop;
	(pc) =	sbr.rel @p0 .LBB2_1-.Ltmp3, $4  }
0x9e: {  	[hbm4b:s7+s4] =	stream.linear.scatter [tilespmem:s26], [sflag:$0x3], $0x200, $0x38;
	[tilespmem:$0x10600] =	vst v63  }
0x9f: {  	_ =	swait.ge [sflag:s28], $0x200  }
0xa0: {  	[sflag:s28] =	ssyncset.done $0x0  }
0xa1: {  	[sflag:s28] =	ssyncadd.s32 $0xFFFFFE00  }
0xa2: {  	_ =	sfence.sel $0x180000  }
0xa3: {  	[bflag:$0x0] =	sbarrier.arrive $0xFFFF  }
0xa4: {  	_ =	strace $0x90000047  }
0xa5: {  	s0 =	stileid.u32;
	[bflag:$0x2] =	sbarrier.arrive $0xFFFF  }
0xa6: {  	p0 =	sne.s32 s0, $0x0;
	s0 =	rddreg [dreg:$0x5]  }
0xa7: {  	s0 =	sadd.s32 @!p0 $0x100000, s0  }
0xa8: {  	[sflag:s0] =	ssyncadd.tile.s32 @!p0 $0x1;
	_ =	shalt  }
.Lfunc_end2:
_tile_overlayer_lowered:
.L_overlay_start_2:
0xa9: {  	(tag) =	ssettag $0x2  }
0xaa: {  	s0 =	rddreg [dreg:$0x0];
	s2 =	stileid.u32  }
0xab: {  	s1 =	rddreg [dreg:$0x1];
	p0 =	sne.s32 s2, $0x0  }
0xac: {  	s3 =	rddreg [dreg:$0x2];
	[bflag:$0x3] =	sbarrier.arrive $0xFFFF;
	s2 =	simm.s32 @!p0 $0x1C03  }
0xad: {  	[timem:s3], [sflag:s2] =	dma.local @!p0 [hbm:s0], s1  }
0xae: {  	s0 =	simm.s32 @!p0 $0x3  }
0xaf: {  	_ =	swait.ge @!p0 [sflag:s0], s1  }
0xb0: {  	s1 =	ssub.s32 @!p0 $0x0, s1;
	[sflag:s0] =	ssyncset.done @!p0 $0x0  }
0xb1: {  	[sflag:s0] =	ssyncadd.s32 @!p0 s1  }
0xb2: {  	[bflag:$0x3] =	sbarrier.arrive $0xFFFF  }
0xb3: {  	_ =	shalt  }

</sc_bundles>
